<compile_context>
chip_gen: v7x
topology: tpu7x:2x2x1
jax: 0.10.2.dev20260603
libtpu: 0.0.44.dev20260713+nightly
codegen_flags: <defaults>
</compile_context>

<pallas_src>
import functools

import jax
import jax.numpy as jnp
from jax import lax
from jax.experimental import pallas as pl
from jax.experimental.pallas import tpu as pltpu
from jax.experimental.pallas import tpu_sc as plsc

_B = 16384
_F = 26
_E = 32
_BUCKET = 100000
_NC = 2
_NS = 16
_NW = _NC * _NS
_L = 16
_Q = 4096
_NQ = _B // _Q
_CH = 25088
_MAIN = 3 * _CH + 24704
_PAD = _BUCKET - _MAIN


@functools.cache
def _sc_gather_fn():
    mesh = plsc.VectorSubcoreMesh(
        core_axis_name="c", subcore_axis_name="s", num_cores=_NC,
        num_subcores=_NS)

    @functools.partial(
        pl.kernel,
        out_type=(
            jax.ShapeDtypeStruct((_F * _E, _B), jnp.float32),
            jax.ShapeDtypeStruct((_F, _B), jnp.float32),
        ),
        mesh=mesh,
        scratch_types=[
            pltpu.VMEM((_MAIN + 128,), jnp.float32),
            pltpu.VMEM((2, _Q), jnp.int32),
            pltpu.VMEM((_B,), jnp.float32),
            pltpu.SemaphoreType.DMA,
            pltpu.SemaphoreType.DMA,
            pltpu.SemaphoreType.DMA,
        ],
        compiler_params=pltpu.CompilerParams(
            use_tc_tiling_on_sc=True, needs_layout_passes=False),
    )
    def sc_gather(feats_hbm, tt_hbm, ttail_hbm, wt_hbm, wtail_hbm,
                  emb_out, wide_out, rowbuf, idxq, part, sem_r, sem_i, sem_o):
        e = lax.axis_index("c") * _NS + lax.axis_index("s")

        def row_copies(src_hbm, tail_hbm, r):
            cps = []
            for off in range(0, _MAIN, _CH):
                ln = min(_CH, _MAIN - off)
                cps.append(pltpu.make_async_copy(
                    src_hbm.at[r, pl.ds(off, ln)],
                    rowbuf.at[pl.ds(off, ln)], sem_r))
            cps.append(pltpu.make_async_copy(
                tail_hbm.at[r], rowbuf.at[pl.ds(_MAIN, 128)], sem_r))
            return cps

        def idx_copy(f, q, s):
            return pltpu.make_async_copy(
                feats_hbm.at[f, pl.ds(q * _Q, _Q)], idxq.at[s], sem_i)

        def out_copy(row, q):
            return pltpu.make_async_copy(
                part.at[pl.ds(q * _Q, _Q)],
                emb_out.at[row, pl.ds(q * _Q, _Q)], sem_o)

        def gather_quarter(s, qbase):
            @plsc.parallel_loop(0, _Q // _L, unroll=8)
            def _loop(k):
                ids = idxq[s, pl.ds(k * _L, _L)]
                part[pl.ds(qbase + k * _L, _L)] = plsc.load_gather(
                    rowbuf, [ids])

        def field_body(f, carry):
            row = f * _E + e
            for cp in row_copies(tt_hbm, ttail_hbm, row):
                cp.start()

            @pl.when(f > 0)
            def _wait_prev_out():
                for q in range(_NQ):
                    out_copy(row, q).wait()

            for cp in row_copies(tt_hbm, ttail_hbm, row):
                cp.wait()
            for q in range(_NQ):
                idx_copy(f, q, q % 2).wait()
                if q < _NQ - 1:
                    idx_copy(f, q + 1, (q + 1) % 2).start()
                gather_quarter(q % 2, q * _Q)
                out_copy(row, q).start()

            @pl.when(f < _F - 1)
            def _prefetch_idx():
                idx_copy(f + 1, 0, 0).start()

            return carry

        idx_copy(0, 0, 0).start()
        lax.fori_loop(0, _F, field_body, 0)
        for q in range(_NQ):
            out_copy((_F - 1) * _E + e, q).wait()

        @pl.when(e < _F)
        def _wide():
            for cp in row_copies(wt_hbm, wtail_hbm, e):
                cp.start()
            for cp in row_copies(wt_hbm, wtail_hbm, e):
                cp.wait()
            for q in range(_NQ):
                pltpu.sync_copy(feats_hbm.at[e, pl.ds(q * _Q, _Q)],
                                idxq.at[0])
                gather_quarter(0, q * _Q)
                pltpu.sync_copy(part.at[pl.ds(q * _Q, _Q)],
                                wide_out.at[e, pl.ds(q * _Q, _Q)])

    return sc_gather


def kernel(feat_0, feat_1, feat_2, feat_3, feat_4, feat_5, feat_6, feat_7,
           feat_8, feat_9, feat_10, feat_11, feat_12, feat_13, feat_14,
           feat_15, feat_16, feat_17, feat_18, feat_19, feat_20, feat_21,
           feat_22, feat_23, feat_24, feat_25, emb_tables, wide_weights):
    feats = jnp.stack(
        [feat_0[:, 0], feat_1[:, 0], feat_2[:, 0], feat_3[:, 0],
         feat_4[:, 0], feat_5[:, 0], feat_6[:, 0], feat_7[:, 0],
         feat_8[:, 0], feat_9[:, 0], feat_10[:, 0], feat_11[:, 0],
         feat_12[:, 0], feat_13[:, 0], feat_14[:, 0], feat_15[:, 0],
         feat_16[:, 0], feat_17[:, 0], feat_18[:, 0], feat_19[:, 0],
         feat_20[:, 0], feat_21[:, 0], feat_22[:, 0], feat_23[:, 0],
         feat_24[:, 0], feat_25[:, 0]], axis=0)
    tt = emb_tables.transpose(0, 2, 1).reshape(_F * _E, _BUCKET)
    ttail = jnp.pad(tt[:, _MAIN:], ((0, 0), (0, 128 - _PAD)))
    wtail = jnp.pad(wide_weights[:, _MAIN:], ((0, 0), (0, 128 - _PAD)))
    emb_t, wide_t = _sc_gather_fn()(feats, tt, ttail, wide_weights, wtail)
    emb = emb_t.reshape(_F, _E, _B).transpose(2, 0, 1)
    wide = wide_t.transpose(1, 0)
    return (wide, emb)

# --- scband reference (transcript-rebuilt; emitter-appended) ---
"""Pipeline reference for scband-input-to-wide-emb-26792005993052 (READ-ONLY COPY).

The authoritative reference and input builder live on the scoring server;
editing this copy changes nothing except your own understanding.
"""

import jax, jax.numpy as jnp
import numpy as np

EMB_DIM = 32
N_FIELDS = 26
BUCKET = 100000
BATCH = 16384


def setup_inputs(seed: int = 0) -> dict:
    key = jax.random.key(seed)
    inp = {}
    for i in range(N_FIELDS):
        inp["feat_%d" % i] = jax.random.randint(
            jax.random.fold_in(key, i), (BATCH, 1), 0, BUCKET, dtype=jnp.int32
        )
    # Learned parameters: per-field embedding tables and per-field wide (linear) weights
    inp["emb_tables"] = jax.random.normal(
        jax.random.fold_in(key, 1000), (N_FIELDS, BUCKET, EMB_DIM), dtype=jnp.float32
    ) * 0.05
    inp["wide_weights"] = jax.random.normal(
        jax.random.fold_in(key, 2000), (N_FIELDS, BUCKET), dtype=jnp.float32
    ) * 0.05
    return inp


def reference(
    feat_0, feat_1, feat_2, feat_3, feat_4, feat_5, feat_6, feat_7,
    feat_8, feat_9, feat_10, feat_11, feat_12, feat_13, feat_14, feat_15,
    feat_16, feat_17, feat_18, feat_19, feat_20, feat_21, feat_22, feat_23,
    feat_24, feat_25, emb_tables, wide_weights,
):
    feats = [
        feat_0, feat_1, feat_2, feat_3, feat_4, feat_5, feat_6, feat_7,
        feat_8, feat_9, feat_10, feat_11, feat_12, feat_13, feat_14, feat_15,
        feat_16, feat_17, feat_18, feat_19, feat_20, feat_21, feat_22, feat_23,
        feat_24, feat_25,
    ]
    wide_list = []
    emb_list = []
    for i in range(N_FIELDS):
        # Hashing layer: map raw id into [0, hash_bucket_size). Raw ids are already
        # in range, so modulo is the identity, mirroring TF Hashing's bucketization.
        idx = jnp.mod(feats[i], BUCKET)  # (B, 1) int32
        # wide branch: gather per-field wide weight at the hashed index
        wide_list.append(jnp.take(wide_weights[i], idx, axis=0))  # (B, 1)
        # embedding branch: gather embedding row
        emb_list.append(jnp.take(emb_tables[i], idx[:, 0], axis=0)[:, None, :])  # (B, 1, E)
    wide_tensor = jnp.concatenate(wide_list, axis=1)  # (B, n_fields)
    emb_tensor = jnp.concatenate(emb_list, axis=1)    # (B, n_fields, E)
    return (wide_tensor, emb_tensor)

if __name__ == "__main__":
    import jax
    _d = setup_inputs()
    print(jax.jit(kernel)(*tuple(_d.values())))

</pallas_src>

<mosaic_0001>
#map = affine_map<(d0, d1) -> (0, 0)>
module attributes {stable_mosaic.version = 14 : i64} {
  func.func @sc_gather(%arg0: i32, %arg1: i32, %arg2: memref<26x16384xi32, #tpu.memory_space<hbm>>, %arg3: memref<832x100000xf32, #tpu.memory_space<hbm>>, %arg4: memref<832x128xf32, #tpu.memory_space<hbm>>, %arg5: memref<26x100000xf32, #tpu.memory_space<hbm>>, %arg6: memref<26x128xf32, #tpu.memory_space<hbm>>, %arg7: memref<832x16384xf32, #tpu.memory_space<hbm>>, %arg8: memref<26x16384xf32, #tpu.memory_space<hbm>>, %arg9: memref<100096xf32, #tpu.memory_space<vmem>>, %arg10: memref<2x4096xi32, #tpu.memory_space<vmem>>, %arg11: memref<16384xf32, #tpu.memory_space<vmem>>, %arg12: memref<!tpu.dma_semaphore, #tpu.memory_space<semaphore_mem>>, %arg13: memref<!tpu.dma_semaphore, #tpu.memory_space<semaphore_mem>>, %arg14: memref<!tpu.dma_semaphore, #tpu.memory_space<semaphore_mem>>) attributes {dimension_semantics = [#tpu.dimension_semantics<core_parallel>, #tpu.dimension_semantics<subcore_parallel>], iteration_bounds = array<i64: 2, 16>, scalar_prefetch = 0 : i64, scratch_operands = 6 : i64, tpu.core_type = #tpu.core_type<sc_vector_subcore>, window_params = [{transform_indices = #map}, {transform_indices = #map}, {transform_indices = #map}, {transform_indices = #map}, {transform_indices = #map}, {transform_indices = #map}, {transform_indices = #map}]} {
    %mul3A = arith.constant 16 : i32
    %mul3A_0 = arith.muli %arg0, %mul3A : i32
    %add3A = arith.addi %mul3A_0, %arg1 : i32
    %dma_start3A = arith.constant 0 : i32
    %dma_start3A_1 = arith.constant 0 : i32
    %dma_start3A_2 = arith.constant 0 : i32
    %dma_start3A_3 = tpu.memref_slice %arg10[%dma_start3A_1, %dma_start3A_2] : memref<2x4096xi32, #tpu.memory_space<vmem>> -> memref<1x4096xi32, #tpu.memory_space<vmem>>
    %dma_start3A_4 = tpu.memref_squeeze %dma_start3A_3 : memref<1x4096xi32, #tpu.memory_space<vmem>> -> memref<4096xi32, #tpu.memory_space<vmem>>
    %dma_start3A_5 = arith.constant 0 : i32
    %dma_start3A_6 = tpu.memref_slice %arg2[%dma_start3A, %dma_start3A_5] : memref<26x16384xi32, #tpu.memory_space<hbm>> -> memref<1x4096xi32, #tpu.memory_space<hbm>>
    %dma_start3A_7 = tpu.memref_squeeze %dma_start3A_6 : memref<1x4096xi32, #tpu.memory_space<hbm>> -> memref<4096xi32, #tpu.memory_space<hbm>>
    %dma_start3A_8 = arith.constant 0 : i32
    %dma_start3A_9 = tpu.memref_slice %arg10[%dma_start3A_1, %dma_start3A_8] : memref<2x4096xi32, #tpu.memory_space<vmem>> -> memref<1x4096xi32, #tpu.memory_space<vmem>>
    %dma_start3A_10 = tpu.memref_squeeze %dma_start3A_9 : memref<1x4096xi32, #tpu.memory_space<vmem>> -> memref<4096xi32, #tpu.memory_space<vmem>>
    %dma_start3A_11 = arith.constant 0 : i32
    %dma_start3A_12 = tpu.memref_slice %arg2[%dma_start3A, %dma_start3A_11] : memref<26x16384xi32, #tpu.memory_space<hbm>> -> memref<1x4096xi32, #tpu.memory_space<hbm>>
    %dma_start3A_13 = tpu.memref_squeeze %dma_start3A_12 : memref<1x4096xi32, #tpu.memory_space<hbm>> -> memref<4096xi32, #tpu.memory_space<hbm>>
    tpu.enqueue_dma source(%dma_start3A_13 : memref<4096xi32, #tpu.memory_space<hbm>>) target(%dma_start3A_10 : memref<4096xi32, #tpu.memory_space<vmem>>) target_semaphore(%arg13 : memref<!tpu.dma_semaphore, #tpu.memory_space<semaphore_mem>>)
    %scan3A = arith.constant 0 : i32
    %scan3A_14 = arith.constant 0 : i32
    %scan3A_15 = arith.constant 26 : i32
    %scan3A_16 = arith.addi %scan3A_14, %scan3A_15 : i32
    %scan3A_17 = arith.constant 1 : i32
    scf.for %scan3A_68 = %scan3A_14 to %scan3A_16 step %scan3A_17  : i32 {
      %mul3A_69 = arith.constant 32 : i32
      %mul3A_70 = arith.muli %scan3A_68, %mul3A_69 : i32
      %add3A_71 = arith.addi %mul3A_70, %add3A : i32
      %dma_start3A_72 = arith.constant 0 : i32
      %dma_start3A_73 = tpu.memref_slice %arg9[%dma_start3A_72] : memref<100096xf32, #tpu.memory_space<vmem>> -> memref<25088xf32, #tpu.memory_space<vmem>>
      %dma_start3A_74 = arith.constant 0 : i32
      %dma_start3A_75 = tpu.memref_slice %arg3[%add3A_71, %dma_start3A_74] : memref<832x100000xf32, #tpu.memory_space<hbm>> -> memref<1x25088xf32, #tpu.memory_space<hbm>>
      %dma_start3A_76 = tpu.memref_squeeze %dma_start3A_75 : memref<1x25088xf32, #tpu.memory_space<hbm>> -> memref<25088xf32, #tpu.memory_space<hbm>>
      %dma_start3A_77 = arith.constant 0 : i32
      %dma_start3A_78 = tpu.memref_slice %arg9[%dma_start3A_77] : memref<100096xf32, #tpu.memory_space<vmem>> -> memref<25088xf32, #tpu.memory_space<vmem>>
      %dma_start3A_79 = arith.constant 0 : i32
      %dma_start3A_80 = tpu.memref_slice %arg3[%add3A_71, %dma_start3A_79] : memref<832x100000xf32, #tpu.memory_space<hbm>> -> memref<1x25088xf32, #tpu.memory_space<hbm>>
      %dma_start3A_81 = tpu.memref_squeeze %dma_start3A_80 : memref<1x25088xf32, #tpu.memory_space<hbm>> -> memref<25088xf32, #tpu.memory_space<hbm>>
      tpu.enqueue_dma source(%dma_start3A_81 : memref<25088xf32, #tpu.memory_space<hbm>>) target(%dma_start3A_78 : memref<25088xf32, #tpu.memory_space<vmem>>) target_semaphore(%arg12 : memref<!tpu.dma_semaphore, #tpu.memory_space<semaphore_mem>>)
      %dma_start3A_82 = arith.constant 25088 : i32
      %dma_start3A_83 = tpu.memref_slice %arg9[%dma_start3A_82] : memref<100096xf32, #tpu.memory_space<vmem>> -> memref<25088xf32, #tpu.memory_space<vmem>>
      %dma_start3A_84 = arith.constant 25088 : i32
      %dma_start3A_85 = tpu.memref_slice %arg3[%add3A_71, %dma_start3A_84] : memref<832x100000xf32, #tpu.memory_space<hbm>> -> memref<1x25088xf32, #tpu.memory_space<hbm>>
      %dma_start3A_86 = tpu.memref_squeeze %dma_start3A_85 : memref<1x25088xf32, #tpu.memory_space<hbm>> -> memref<25088xf32, #tpu.memory_space<hbm>>
      %dma_start3A_87 = arith.constant 25088 : i32
      %dma_start3A_88 = tpu.memref_slice %arg9[%dma_start3A_87] : memref<100096xf32, #tpu.memory_space<vmem>> -> memref<25088xf32, #tpu.memory_space<vmem>>
      %dma_start3A_89 = arith.constant 25088 : i32
      %dma_start3A_90 = tpu.memref_slice %arg3[%add3A_71, %dma_start3A_89] : memref<832x100000xf32, #tpu.memory_space<hbm>> -> memref<1x25088xf32, #tpu.memory_space<hbm>>
      %dma_start3A_91 = tpu.memref_squeeze %dma_start3A_90 : memref<1x25088xf32, #tpu.memory_space<hbm>> -> memref<25088xf32, #tpu.memory_space<hbm>>
      tpu.enqueue_dma source(%dma_start3A_91 : memref<25088xf32, #tpu.memory_space<hbm>>) target(%dma_start3A_88 : memref<25088xf32, #tpu.memory_space<vmem>>) target_semaphore(%arg12 : memref<!tpu.dma_semaphore, #tpu.memory_space<semaphore_mem>>)
      %dma_start3A_92 = arith.constant 50176 : i32
      %dma_start3A_93 = tpu.memref_slice %arg9[%dma_start3A_92] : memref<100096xf32, #tpu.memory_space<vmem>> -> memref<25088xf32, #tpu.memory_space<vmem>>
      %dma_start3A_94 = arith.constant 50176 : i32
      %dma_start3A_95 = tpu.memref_slice %arg3[%add3A_71, %dma_start3A_94] : memref<832x100000xf32, #tpu.memory_space<hbm>> -> memref<1x25088xf32, #tpu.memory_space<hbm>>
      %dma_start3A_96 = tpu.memref_squeeze %dma_start3A_95 : memref<1x25088xf32, #tpu.memory_space<hbm>> -> memref<25088xf32, #tpu.memory_space<hbm>>
      %dma_start3A_97 = arith.constant 50176 : i32
      %dma_start3A_98 = tpu.memref_slice %arg9[%dma_start3A_97] : memref<100096xf32, #tpu.memory_space<vmem>> -> memref<25088xf32, #tpu.memory_space<vmem>>
      %dma_start3A_99 = arith.constant 50176 : i32
      %dma_start3A_100 = tpu.memref_slice %arg3[%add3A_71, %dma_start3A_99] : memref<832x100000xf32, #tpu.memory_space<hbm>> -> memref<1x25088xf32, #tpu.memory_space<hbm>>
      %dma_start3A_101 = tpu.memref_squeeze %dma_start3A_100 : memref<1x25088xf32, #tpu.memory_space<hbm>> -> memref<25088xf32, #tpu.memory_space<hbm>>
      tpu.enqueue_dma source(%dma_start3A_101 : memref<25088xf32, #tpu.memory_space<hbm>>) target(%dma_start3A_98 : memref<25088xf32, #tpu.memory_space<vmem>>) target_semaphore(%arg12 : memref<!tpu.dma_semaphore, #tpu.memory_space<semaphore_mem>>)
      %dma_start3A_102 = arith.constant 75264 : i32
      %dma_start3A_103 = tpu.memref_slice %arg9[%dma_start3A_102] : memref<100096xf32, #tpu.memory_space<vmem>> -> memref<24704xf32, #tpu.memory_space<vmem>>
      %dma_start3A_104 = arith.constant 75264 : i32
      %dma_start3A_105 = tpu.memref_slice %arg3[%add3A_71, %dma_start3A_104] : memref<832x100000xf32, #tpu.memory_space<hbm>> -> memref<1x24704xf32, #tpu.memory_space<hbm>>
      %dma_start3A_106 = tpu.memref_squeeze %dma_start3A_105 : memref<1x24704xf32, #tpu.memory_space<hbm>> -> memref<24704xf32, #tpu.memory_space<hbm>>
      %dma_start3A_107 = arith.constant 75264 : i32
      %dma_start3A_108 = tpu.memref_slice %arg9[%dma_start3A_107] : memref<100096xf32, #tpu.memory_space<vmem>> -> memref<24704xf32, #tpu.memory_space<vmem>>
      %dma_start3A_109 = arith.constant 75264 : i32
      %dma_start3A_110 = tpu.memref_slice %arg3[%add3A_71, %dma_start3A_109] : memref<832x100000xf32, #tpu.memory_space<hbm>> -> memref<1x24704xf32, #tpu.memory_space<hbm>>
      %dma_start3A_111 = tpu.memref_squeeze %dma_start3A_110 : memref<1x24704xf32, #tpu.memory_space<hbm>> -> memref<24704xf32, #tpu.memory_space<hbm>>
      tpu.enqueue_dma source(%dma_start3A_111 : memref<24704xf32, #tpu.memory_space<hbm>>) target(%dma_start3A_108 : memref<24704xf32, #tpu.memory_space<vmem>>) target_semaphore(%arg12 : memref<!tpu.dma_semaphore, #tpu.memory_space<semaphore_mem>>)
      %dma_start3A_112 = arith.constant 99968 : i32
      %dma_start3A_113 = tpu.memref_slice %arg9[%dma_start3A_112] : memref<100096xf32, #tpu.memory_space<vmem>> -> memref<128xf32, #tpu.memory_space<vmem>>
      %dma_start3A_114 = arith.constant 0 : i32
      %dma_start3A_115 = tpu.memref_slice %arg4[%add3A_71, %dma_start3A_114] : memref<832x128xf32, #tpu.memory_space<hbm>> -> memref<1x128xf32, #tpu.memory_space<hbm>>
      %dma_start3A_116 = tpu.memref_squeeze %dma_start3A_115 : memref<1x128xf32, #tpu.memory_space<hbm>> -> memref<128xf32, #tpu.memory_space<hbm>>
      %dma_start3A_117 = arith.constant 99968 : i32
      %dma_start3A_118 = tpu.memref_slice %arg9[%dma_start3A_117] : memref<100096xf32, #tpu.memory_space<vmem>> -> memref<128xf32, #tpu.memory_space<vmem>>
      %dma_start3A_119 = arith.constant 0 : i32
      %dma_start3A_120 = tpu.memref_slice %arg4[%add3A_71, %dma_start3A_119] : memref<832x128xf32, #tpu.memory_space<hbm>> -> memref<1x128xf32, #tpu.memory_space<hbm>>
      %dma_start3A_121 = tpu.memref_squeeze %dma_start3A_120 : memref<1x128xf32, #tpu.memory_space<hbm>> -> memref<128xf32, #tpu.memory_space<hbm>>
      tpu.enqueue_dma source(%dma_start3A_121 : memref<128xf32, #tpu.memory_space<hbm>>) target(%dma_start3A_118 : memref<128xf32, #tpu.memory_space<vmem>>) target_semaphore(%arg12 : memref<!tpu.dma_semaphore, #tpu.memory_space<semaphore_mem>>)
      %gt3A = arith.constant 0 : i32
      %gt3A_122 = arith.cmpi sgt, %scan3A_68, %gt3A : i32
      %convert_element_type3A_123 = arith.extui %gt3A_122 : i1 to i32
      %cond3A_124 = arith.constant 0 : i32
      %cond3A_125 = arith.cmpi ne, %convert_element_type3A_123, %cond3A_124 : i32
      scf.if %cond3A_125 {
        %dma_wait3A_323 = arith.constant 0 : i32
        %dma_wait3A_324 = tpu.memref_slice %arg11[%dma_wait3A_323] : memref<16384xf32, #tpu.memory_space<vmem>> -> memref<4096xf32, #tpu.memory_space<vmem>>
        %dma_wait3A_325 = arith.constant 0 : i32
        %dma_wait3A_326 = tpu.memref_slice %arg7[%add3A_71, %dma_wait3A_325] : memref<832x16384xf32, #tpu.memory_space<hbm>> -> memref<1x4096xf32, #tpu.memory_space<hbm>>
        %dma_wait3A_327 = tpu.memref_squeeze %dma_wait3A_326 : memref<1x4096xf32, #tpu.memory_space<hbm>> -> memref<4096xf32, #tpu.memory_space<hbm>>
        %dma_wait3A_328 = arith.constant 0 : i32
        %dma_wait3A_329 = tpu.memref_slice %arg7[%add3A_71, %dma_wait3A_328] : memref<832x16384xf32, #tpu.memory_space<hbm>> -> memref<1x4096xf32, #tpu.memory_space<hbm>>
        %dma_wait3A_330 = tpu.memref_squeeze %dma_wait3A_329 : memref<1x4096xf32, #tpu.memory_space<hbm>> -> memref<4096xf32, #tpu.memory_space<hbm>>
        %dma_wait3A_331 = arith.constant 0 : i32
        %dma_wait3A_332 = tpu.memref_slice %arg11[%dma_wait3A_331] : memref<16384xf32, #tpu.memory_space<vmem>> -> memref<4096xf32, #tpu.memory_space<vmem>>
        tpu.wait_dma2 semaphore(%arg14 : memref<!tpu.dma_semaphore, #tpu.memory_space<semaphore_mem>>) src(%dma_wait3A_332 : memref<4096xf32, #tpu.memory_space<vmem>>) dst(%dma_wait3A_330 : memref<4096xf32, #tpu.memory_space<hbm>>)
        %dma_wait3A_333 = arith.constant 4096 : i32
        %dma_wait3A_334 = tpu.memref_slice %arg11[%dma_wait3A_333] : memref<16384xf32, #tpu.memory_space<vmem>> -> memref<4096xf32, #tpu.memory_space<vmem>>
        %dma_wait3A_335 = arith.constant 4096 : i32
        %dma_wait3A_336 = tpu.memref_slice %arg7[%add3A_71, %dma_wait3A_335] : memref<832x16384xf32, #tpu.memory_space<hbm>> -> memref<1x4096xf32, #tpu.memory_space<hbm>>
        %dma_wait3A_337 = tpu.memref_squeeze %dma_wait3A_336 : memref<1x4096xf32, #tpu.memory_space<hbm>> -> memref<4096xf32, #tpu.memory_space<hbm>>
        %dma_wait3A_338 = arith.constant 4096 : i32
        %dma_wait3A_339 = tpu.memref_slice %arg7[%add3A_71, %dma_wait3A_338] : memref<832x16384xf32, #tpu.memory_space<hbm>> -> memref<1x4096xf32, #tpu.memory_space<hbm>>
        %dma_wait3A_340 = tpu.memref_squeeze %dma_wait3A_339 : memref<1x4096xf32, #tpu.memory_space<hbm>> -> memref<4096xf32, #tpu.memory_space<hbm>>
        %dma_wait3A_341 = arith.constant 4096 : i32
        %dma_wait3A_342 = tpu.memref_slice %arg11[%dma_wait3A_341] : memref<16384xf32, #tpu.memory_space<vmem>> -> memref<4096xf32, #tpu.memory_space<vmem>>
        tpu.wait_dma2 semaphore(%arg14 : memref<!tpu.dma_semaphore, #tpu.memory_space<semaphore_mem>>) src(%dma_wait3A_342 : memref<4096xf32, #tpu.memory_space<vmem>>) dst(%dma_wait3A_340 : memref<4096xf32, #tpu.memory_space<hbm>>)
        %dma_wait3A_343 = arith.constant 8192 : i32
        %dma_wait3A_344 = tpu.memref_slice %arg11[%dma_wait3A_343] : memref<16384xf32, #tpu.memory_space<vmem>> -> memref<4096xf32, #tpu.memory_space<vmem>>
        %dma_wait3A_345 = arith.constant 8192 : i32
        %dma_wait3A_346 = tpu.memref_slice %arg7[%add3A_71, %dma_wait3A_345] : memref<832x16384xf32, #tpu.memory_space<hbm>> -> memref<1x4096xf32, #tpu.memory_space<hbm>>
        %dma_wait3A_347 = tpu.memref_squeeze %dma_wait3A_346 : memref<1x4096xf32, #tpu.memory_space<hbm>> -> memref<4096xf32, #tpu.memory_space<hbm>>
        %dma_wait3A_348 = arith.constant 8192 : i32
        %dma_wait3A_349 = tpu.memref_slice %arg7[%add3A_71, %dma_wait3A_348] : memref<832x16384xf32, #tpu.memory_space<hbm>> -> memref<1x4096xf32, #tpu.memory_space<hbm>>
        %dma_wait3A_350 = tpu.memref_squeeze %dma_wait3A_349 : memref<1x4096xf32, #tpu.memory_space<hbm>> -> memref<4096xf32, #tpu.memory_space<hbm>>
        %dma_wait3A_351 = arith.constant 8192 : i32
        %dma_wait3A_352 = tpu.memref_slice %arg11[%dma_wait3A_351] : memref<16384xf32, #tpu.memory_space<vmem>> -> memref<4096xf32, #tpu.memory_space<vmem>>
        tpu.wait_dma2 semaphore(%arg14 : memref<!tpu.dma_semaphore, #tpu.memory_space<semaphore_mem>>) src(%dma_wait3A_352 : memref<4096xf32, #tpu.memory_space<vmem>>) dst(%dma_wait3A_350 : memref<4096xf32, #tpu.memory_space<hbm>>)
        %dma_wait3A_353 = arith.constant 12288 : i32
        %dma_wait3A_354 = tpu.memref_slice %arg11[%dma_wait3A_353] : memref<16384xf32, #tpu.memory_space<vmem>> -> memref<4096xf32, #tpu.memory_space<vmem>>
        %dma_wait3A_355 = arith.constant 12288 : i32
        %dma_wait3A_356 = tpu.memref_slice %arg7[%add3A_71, %dma_wait3A_355] : memref<832x16384xf32, #tpu.memory_space<hbm>> -> memref<1x4096xf32, #tpu.memory_space<hbm>>
        %dma_wait3A_357 = tpu.memref_squeeze %dma_wait3A_356 : memref<1x4096xf32, #tpu.memory_space<hbm>> -> memref<4096xf32, #tpu.memory_space<hbm>>
        %dma_wait3A_358 = arith.constant 12288 : i32
        %dma_wait3A_359 = tpu.memref_slice %arg7[%add3A_71, %dma_wait3A_358] : memref<832x16384xf32, #tpu.memory_space<hbm>> -> memref<1x4096xf32, #tpu.memory_space<hbm>>
        %dma_wait3A_360 = tpu.memref_squeeze %dma_wait3A_359 : memref<1x4096xf32, #tpu.memory_space<hbm>> -> memref<4096xf32, #tpu.memory_space<hbm>>
        %dma_wait3A_361 = arith.constant 12288 : i32
        %dma_wait3A_362 = tpu.memref_slice %arg11[%dma_wait3A_361] : memref<16384xf32, #tpu.memory_space<vmem>> -> memref<4096xf32, #tpu.memory_space<vmem>>
        tpu.wait_dma2 semaphore(%arg14 : memref<!tpu.dma_semaphore, #tpu.memory_space<semaphore_mem>>) src(%dma_wait3A_362 : memref<4096xf32, #tpu.memory_space<vmem>>) dst(%dma_wait3A_360 : memref<4096xf32, #tpu.memory_space<hbm>>)
      } else {
      }
      %dma_wait3A_126 = arith.constant 0 : i32
      %dma_wait3A_127 = tpu.memref_slice %arg9[%dma_wait3A_126] : memref<100096xf32, #tpu.memory_space<vmem>> -> memref<25088xf32, #tpu.memory_space<vmem>>
      %dma_wait3A_128 = arith.constant 0 : i32
      %dma_wait3A_129 = tpu.memref_slice %arg3[%add3A_71, %dma_wait3A_128] : memref<832x100000xf32, #tpu.memory_space<hbm>> -> memref<1x25088xf32, #tpu.memory_space<hbm>>
      %dma_wait3A_130 = tpu.memref_squeeze %dma_wait3A_129 : memref<1x25088xf32, #tpu.memory_space<hbm>> -> memref<25088xf32, #tpu.memory_space<hbm>>
      %dma_wait3A_131 = arith.constant 0 : i32
      %dma_wait3A_132 = tpu.memref_slice %arg9[%dma_wait3A_131] : memref<100096xf32, #tpu.memory_space<vmem>> -> memref<25088xf32, #tpu.memory_space<vmem>>
      %dma_wait3A_133 = arith.constant 0 : i32
      %dma_wait3A_134 = tpu.memref_slice %arg3[%add3A_71, %dma_wait3A_133] : memref<832x100000xf32, #tpu.memory_space<hbm>> -> memref<1x25088xf32, #tpu.memory_space<hbm>>
      %dma_wait3A_135 = tpu.memref_squeeze %dma_wait3A_134 : memref<1x25088xf32, #tpu.memory_space<hbm>> -> memref<25088xf32, #tpu.memory_space<hbm>>
      tpu.wait_dma2 semaphore(%arg12 : memref<!tpu.dma_semaphore, #tpu.memory_space<semaphore_mem>>) src(%dma_wait3A_135 : memref<25088xf32, #tpu.memory_space<hbm>>) dst(%dma_wait3A_132 : memref<25088xf32, #tpu.memory_space<vmem>>)
      %dma_wait3A_136 = arith.constant 25088 : i32
      %dma_wait3A_137 = tpu.memref_slice %arg9[%dma_wait3A_136] : memref<100096xf32, #tpu.memory_space<vmem>> -> memref<25088xf32, #tpu.memory_space<vmem>>
      %dma_wait3A_138 = arith.constant 25088 : i32
      %dma_wait3A_139 = tpu.memref_slice %arg3[%add3A_71, %dma_wait3A_138] : memref<832x100000xf32, #tpu.memory_space<hbm>> -> memref<1x25088xf32, #tpu.memory_space<hbm>>
      %dma_wait3A_140 = tpu.memref_squeeze %dma_wait3A_139 : memref<1x25088xf32, #tpu.memory_space<hbm>> -> memref<25088xf32, #tpu.memory_space<hbm>>
      %dma_wait3A_141 = arith.constant 25088 : i32
      %dma_wait3A_142 = tpu.memref_slice %arg9[%dma_wait3A_141] : memref<100096xf32, #tpu.memory_space<vmem>> -> memref<25088xf32, #tpu.memory_space<vmem>>
      %dma_wait3A_143 = arith.constant 25088 : i32
      %dma_wait3A_144 = tpu.memref_slice %arg3[%add3A_71, %dma_wait3A_143] : memref<832x100000xf32, #tpu.memory_space<hbm>> -> memref<1x25088xf32, #tpu.memory_space<hbm>>
      %dma_wait3A_145 = tpu.memref_squeeze %dma_wait3A_144 : memref<1x25088xf32, #tpu.memory_space<hbm>> -> memref<25088xf32, #tpu.memory_space<hbm>>
      tpu.wait_dma2 semaphore(%arg12 : memref<!tpu.dma_semaphore, #tpu.memory_space<semaphore_mem>>) src(%dma_wait3A_145 : memref<25088xf32, #tpu.memory_space<hbm>>) dst(%dma_wait3A_142 : memref<25088xf32, #tpu.memory_space<vmem>>)
      %dma_wait3A_146 = arith.constant 50176 : i32
      %dma_wait3A_147 = tpu.memref_slice %arg9[%dma_wait3A_146] : memref<100096xf32, #tpu.memory_space<vmem>> -> memref<25088xf32, #tpu.memory_space<vmem>>
      %dma_wait3A_148 = arith.constant 50176 : i32
      %dma_wait3A_149 = tpu.memref_slice %arg3[%add3A_71, %dma_wait3A_148] : memref<832x100000xf32, #tpu.memory_space<hbm>> -> memref<1x25088xf32, #tpu.memory_space<hbm>>
      %dma_wait3A_150 = tpu.memref_squeeze %dma_wait3A_149 : memref<1x25088xf32, #tpu.memory_space<hbm>> -> memref<25088xf32, #tpu.memory_space<hbm>>
      %dma_wait3A_151 = arith.constant 50176 : i32
      %dma_wait3A_152 = tpu.memref_slice %arg9[%dma_wait3A_151] : memref<100096xf32, #tpu.memory_space<vmem>> -> memref<25088xf32, #tpu.memory_space<vmem>>
      %dma_wait3A_153 = arith.constant 50176 : i32
      %dma_wait3A_154 = tpu.memref_slice %arg3[%add3A_71, %dma_wait3A_153] : memref<832x100000xf32, #tpu.memory_space<hbm>> -> memref<1x25088xf32, #tpu.memory_space<hbm>>
      %dma_wait3A_155 = tpu.memref_squeeze %dma_wait3A_154 : memref<1x25088xf32, #tpu.memory_space<hbm>> -> memref<25088xf32, #tpu.memory_space<hbm>>
      tpu.wait_dma2 semaphore(%arg12 : memref<!tpu.dma_semaphore, #tpu.memory_space<semaphore_mem>>) src(%dma_wait3A_155 : memref<25088xf32, #tpu.memory_space<hbm>>) dst(%dma_wait3A_152 : memref<25088xf32, #tpu.memory_space<vmem>>)
      %dma_wait3A_156 = arith.constant 75264 : i32
      %dma_wait3A_157 = tpu.memref_slice %arg9[%dma_wait3A_156] : memref<100096xf32, #tpu.memory_space<vmem>> -> memref<24704xf32, #tpu.memory_space<vmem>>
      %dma_wait3A_158 = arith.constant 75264 : i32
      %dma_wait3A_159 = tpu.memref_slice %arg3[%add3A_71, %dma_wait3A_158] : memref<832x100000xf32, #tpu.memory_space<hbm>> -> memref<1x24704xf32, #tpu.memory_space<hbm>>
      %dma_wait3A_160 = tpu.memref_squeeze %dma_wait3A_159 : memref<1x24704xf32, #tpu.memory_space<hbm>> -> memref<24704xf32, #tpu.memory_space<hbm>>
      %dma_wait3A_161 = arith.constant 75264 : i32
      %dma_wait3A_162 = tpu.memref_slice %arg9[%dma_wait3A_161] : memref<100096xf32, #tpu.memory_space<vmem>> -> memref<24704xf32, #tpu.memory_space<vmem>>
      %dma_wait3A_163 = arith.constant 75264 : i32
      %dma_wait3A_164 = tpu.memref_slice %arg3[%add3A_71, %dma_wait3A_163] : memref<832x100000xf32, #tpu.memory_space<hbm>> -> memref<1x24704xf32, #tpu.memory_space<hbm>>
      %dma_wait3A_165 = tpu.memref_squeeze %dma_wait3A_164 : memref<1x24704xf32, #tpu.memory_space<hbm>> -> memref<24704xf32, #tpu.memory_space<hbm>>
      tpu.wait_dma2 semaphore(%arg12 : memref<!tpu.dma_semaphore, #tpu.memory_space<semaphore_mem>>) src(%dma_wait3A_165 : memref<24704xf32, #tpu.memory_space<hbm>>) dst(%dma_wait3A_162 : memref<24704xf32, #tpu.memory_space<vmem>>)
      %dma_wait3A_166 = arith.constant 99968 : i32
      %dma_wait3A_167 = tpu.memref_slice %arg9[%dma_wait3A_166] : memref<100096xf32, #tpu.memory_space<vmem>> -> memref<128xf32, #tpu.memory_space<vmem>>
      %dma_wait3A_168 = arith.constant 0 : i32
      %dma_wait3A_169 = tpu.memref_slice %arg4[%add3A_71, %dma_wait3A_168] : memref<832x128xf32, #tpu.memory_space<hbm>> -> memref<1x128xf32, #tpu.memory_space<hbm>>
      %dma_wait3A_170 = tpu.memref_squeeze %dma_wait3A_169 : memref<1x128xf32, #tpu.memory_space<hbm>> -> memref<128xf32, #tpu.memory_space<hbm>>
      %dma_wait3A_171 = arith.constant 99968 : i32
      %dma_wait3A_172 = tpu.memref_slice %arg9[%dma_wait3A_171] : memref<100096xf32, #tpu.memory_space<vmem>> -> memref<128xf32, #tpu.memory_space<vmem>>
      %dma_wait3A_173 = arith.constant 0 : i32
      %dma_wait3A_174 = tpu.memref_slice %arg4[%add3A_71, %dma_wait3A_173] : memref<832x128xf32, #tpu.memory_space<hbm>> -> memref<1x128xf32, #tpu.memory_space<hbm>>
      %dma_wait3A_175 = tpu.memref_squeeze %dma_wait3A_174 : memref<1x128xf32, #tpu.memory_space<hbm>> -> memref<128xf32, #tpu.memory_space<hbm>>
      tpu.wait_dma2 semaphore(%arg12 : memref<!tpu.dma_semaphore, #tpu.memory_space<semaphore_mem>>) src(%dma_wait3A_175 : memref<128xf32, #tpu.memory_space<hbm>>) dst(%dma_wait3A_172 : memref<128xf32, #tpu.memory_space<vmem>>)
      %dma_wait3A_176 = arith.constant 0 : i32
      %dma_wait3A_177 = arith.constant 0 : i32
      %dma_wait3A_178 = tpu.memref_slice %arg10[%dma_wait3A_176, %dma_wait3A_177] : memref<2x4096xi32, #tpu.memory_space<vmem>> -> memref<1x4096xi32, #tpu.memory_space<vmem>>
      %dma_wait3A_179 = tpu.memref_squeeze %dma_wait3A_178 : memref<1x4096xi32, #tpu.memory_space<vmem>> -> memref<4096xi32, #tpu.memory_space<vmem>>
      %dma_wait3A_180 = arith.constant 0 : i32
      %dma_wait3A_181 = tpu.memref_slice %arg2[%scan3A_68, %dma_wait3A_180] : memref<26x16384xi32, #tpu.memory_space<hbm>> -> memref<1x4096xi32, #tpu.memory_space<hbm>>
      %dma_wait3A_182 = tpu.memref_squeeze %dma_wait3A_181 : memref<1x4096xi32, #tpu.memory_space<hbm>> -> memref<4096xi32, #tpu.memory_space<hbm>>
      %dma_wait3A_183 = arith.constant 0 : i32
      %dma_wait3A_184 = tpu.memref_slice %arg10[%dma_wait3A_176, %dma_wait3A_183] : memref<2x4096xi32, #tpu.memory_space<vmem>> -> memref<1x4096xi32, #tpu.memory_space<vmem>>
      %dma_wait3A_185 = tpu.memref_squeeze %dma_wait3A_184 : memref<1x4096xi32, #tpu.memory_space<vmem>> -> memref<4096xi32, #tpu.memory_space<vmem>>
      %dma_wait3A_186 = arith.constant 0 : i32
      %dma_wait3A_187 = tpu.memref_slice %arg2[%scan3A_68, %dma_wait3A_186] : memref<26x16384xi32, #tpu.memory_space<hbm>> -> memref<1x4096xi32, #tpu.memory_space<hbm>>
      %dma_wait3A_188 = tpu.memref_squeeze %dma_wait3A_187 : memref<1x4096xi32, #tpu.memory_space<hbm>> -> memref<4096xi32, #tpu.memory_space<hbm>>
      tpu.wait_dma2 semaphore(%arg13 : memref<!tpu.dma_semaphore, #tpu.memory_space<semaphore_mem>>) src(%dma_wait3A_188 : memref<4096xi32, #tpu.memory_space<hbm>>) dst(%dma_wait3A_185 : memref<4096xi32, #tpu.memory_space<vmem>>)
      %dma_start3A_189 = arith.constant 1 : i32
      %dma_start3A_190 = arith.constant 0 : i32
      %dma_start3A_191 = tpu.memref_slice %arg10[%dma_start3A_189, %dma_start3A_190] : memref<2x4096xi32, #tpu.memory_space<vmem>> -> memref<1x4096xi32, #tpu.memory_space<vmem>>
      %dma_start3A_192 = tpu.memref_squeeze %dma_start3A_191 : memref<1x4096xi32, #tpu.memory_space<vmem>> -> memref<4096xi32, #tpu.memory_space<vmem>>
      %dma_start3A_193 = arith.constant 4096 : i32
      %dma_start3A_194 = tpu.memref_slice %arg2[%scan3A_68, %dma_start3A_193] : memref<26x16384xi32, #tpu.memory_space<hbm>> -> memref<1x4096xi32, #tpu.memory_space<hbm>>
      %dma_start3A_195 = tpu.memref_squeeze %dma_start3A_194 : memref<1x4096xi32, #tpu.memory_space<hbm>> -> memref<4096xi32, #tpu.memory_space<hbm>>
      %dma_start3A_196 = arith.constant 0 : i32
      %dma_start3A_197 = tpu.memref_slice %arg10[%dma_start3A_189, %dma_start3A_196] : memref<2x4096xi32, #tpu.memory_space<vmem>> -> memref<1x4096xi32, #tpu.memory_space<vmem>>
      %dma_start3A_198 = tpu.memref_squeeze %dma_start3A_197 : memref<1x4096xi32, #tpu.memory_space<vmem>> -> memref<4096xi32, #tpu.memory_space<vmem>>
      %dma_start3A_199 = arith.constant 4096 : i32
      %dma_start3A_200 = tpu.memref_slice %arg2[%scan3A_68, %dma_start3A_199] : memref<26x16384xi32, #tpu.memory_space<hbm>> -> memref<1x4096xi32, #tpu.memory_space<hbm>>
      %dma_start3A_201 = tpu.memref_squeeze %dma_start3A_200 : memref<1x4096xi32, #tpu.memory_space<hbm>> -> memref<4096xi32, #tpu.memory_space<hbm>>
      tpu.enqueue_dma source(%dma_start3A_201 : memref<4096xi32, #tpu.memory_space<hbm>>) target(%dma_start3A_198 : memref<4096xi32, #tpu.memory_space<vmem>>) target_semaphore(%arg13 : memref<!tpu.dma_semaphore, #tpu.memory_space<semaphore_mem>>)
      %parallel_loop3A = arith.constant 0 : i32
      %parallel_loop3A_202 = arith.constant 256 : i32
      %parallel_loop3A_203 = arith.constant 1 : i32
      scf.for %parallel_loop3A_323 = %parallel_loop3A to %parallel_loop3A_202 step %parallel_loop3A_203  : i32 {
        %parallel_loop3A_324 = arith.constant 16 : i32
        %parallel_loop3A_325 = arith.muli %parallel_loop3A_323, %parallel_loop3A_324 : i32
        %parallel_loop3A_326 = arith.constant 0 : i32
        %parallel_loop3A_327 = arith.index_cast %parallel_loop3A_326 : i32 to index
        %parallel_loop3A_328 = arith.index_cast %parallel_loop3A_325 : i32 to index
        %parallel_loop3A_329 = tpu.vector_load %arg10[%parallel_loop3A_327, %parallel_loop3A_328] {strides = array<i32>} : memref<2x4096xi32, #tpu.memory_space<vmem>>, vector<16xi32>,
        %parallel_loop3A_330 = tpu.vector_load_idx %arg9[%parallel_loop3A_329] : memref<100096xf32, #tpu.memory_space<vmem>>[vector<16xi32>], vector<16xf32>,
        %parallel_loop3A_331 = arith.constant 16 : i32
        %parallel_loop3A_332 = arith.muli %parallel_loop3A_323, %parallel_loop3A_331 : i32
        %parallel_loop3A_333 = arith.constant 0 : i32
        %parallel_loop3A_334 = arith.addi %parallel_loop3A_333, %parallel_loop3A_332 : i32
        %parallel_loop3A_335 = arith.index_cast %parallel_loop3A_334 : i32 to index
        %parallel_loop3A_336 = tpu.vector_load %arg11[%parallel_loop3A_335] {strides = array<i32>} : memref<16384xf32, #tpu.memory_space<vmem>>, vector<16xf32>,
        tpu.vector_store %arg11[%parallel_loop3A_335], %parallel_loop3A_330 {strides = array<i32>} : memref<16384xf32, #tpu.memory_space<vmem>>, vector<16xf32>,
      } {sc.loop_unroll_factor = 8 : i64, sc.parallel_access}
      %dma_start3A_204 = arith.constant 0 : i32
      %dma_start3A_205 = tpu.memref_slice %arg11[%dma_start3A_204] : memref<16384xf32, #tpu.memory_space<vmem>> -> memref<4096xf32, #tpu.memory_space<vmem>>
      %dma_start3A_206 = arith.constant 0 : i32
      %dma_start3A_207 = tpu.memref_slice %arg7[%add3A_71, %dma_start3A_206] : memref<832x16384xf32, #tpu.memory_space<hbm>> -> memref<1x4096xf32, #tpu.memory_space<hbm>>
      %dma_start3A_208 = tpu.memref_squeeze %dma_start3A_207 : memref<1x4096xf32, #tpu.memory_space<hbm>> -> memref<4096xf32, #tpu.memory_space<hbm>>
      %dma_start3A_209 = arith.constant 0 : i32
      %dma_start3A_210 = tpu.memref_slice %arg7[%add3A_71, %dma_start3A_209] : memref<832x16384xf32, #tpu.memory_space<hbm>> -> memref<1x4096xf32, #tpu.memory_space<hbm>>
      %dma_start3A_211 = tpu.memref_squeeze %dma_start3A_210 : memref<1x4096xf32, #tpu.memory_space<hbm>> -> memref<4096xf32, #tpu.memory_space<hbm>>
      %dma_start3A_212 = arith.constant 0 : i32
      %dma_start3A_213 = tpu.memref_slice %arg11[%dma_start3A_212] : memref<16384xf32, #tpu.memory_space<vmem>> -> memref<4096xf32, #tpu.memory_space<vmem>>
      tpu.enqueue_dma source(%dma_start3A_213 : memref<4096xf32, #tpu.memory_space<vmem>>) target(%dma_start3A_211 : memref<4096xf32, #tpu.memory_space<hbm>>) target_semaphore(%arg14 : memref<!tpu.dma_semaphore, #tpu.memory_space<semaphore_mem>>)
      %dma_wait3A_214 = arith.constant 1 : i32
      %dma_wait3A_215 = arith.constant 0 : i32
      %dma_wait3A_216 = tpu.memref_slice %arg10[%dma_wait3A_214, %dma_wait3A_215] : memref<2x4096xi32, #tpu.memory_space<vmem>> -> memref<1x4096xi32, #tpu.memory_space<vmem>>
      %dma_wait3A_217 = tpu.memref_squeeze %dma_wait3A_216 : memref<1x4096xi32, #tpu.memory_space<vmem>> -> memref<4096xi32, #tpu.memory_space<vmem>>
      %dma_wait3A_218 = arith.constant 4096 : i32
      %dma_wait3A_219 = tpu.memref_slice %arg2[%scan3A_68, %dma_wait3A_218] : memref<26x16384xi32, #tpu.memory_space<hbm>> -> memref<1x4096xi32, #tpu.memory_space<hbm>>
      %dma_wait3A_220 = tpu.memref_squeeze %dma_wait3A_219 : memref<1x4096xi32, #tpu.memory_space<hbm>> -> memref<4096xi32, #tpu.memory_space<hbm>>
      %dma_wait3A_221 = arith.constant 0 : i32
      %dma_wait3A_222 = tpu.memref_slice %arg10[%dma_wait3A_214, %dma_wait3A_221] : memref<2x4096xi32, #tpu.memory_space<vmem>> -> memref<1x4096xi32, #tpu.memory_space<vmem>>
      %dma_wait3A_223 = tpu.memref_squeeze %dma_wait3A_222 : memref<1x4096xi32, #tpu.memory_space<vmem>> -> memref<4096xi32, #tpu.memory_space<vmem>>
      %dma_wait3A_224 = arith.constant 4096 : i32
      %dma_wait3A_225 = tpu.memref_slice %arg2[%scan3A_68, %dma_wait3A_224] : memref<26x16384xi32, #tpu.memory_space<hbm>> -> memref<1x4096xi32, #tpu.memory_space<hbm>>
      %dma_wait3A_226 = tpu.memref_squeeze %dma_wait3A_225 : memref<1x4096xi32, #tpu.memory_space<hbm>> -> memref<4096xi32, #tpu.memory_space<hbm>>
      tpu.wait_dma2 semaphore(%arg13 : memref<!tpu.dma_semaphore, #tpu.memory_space<semaphore_mem>>) src(%dma_wait3A_226 : memref<4096xi32, #tpu.memory_space<hbm>>) dst(%dma_wait3A_223 : memref<4096xi32, #tpu.memory_space<vmem>>)
      %dma_start3A_227 = arith.constant 0 : i32
      %dma_start3A_228 = arith.constant 0 : i32
      %dma_start3A_229 = tpu.memref_slice %arg10[%dma_start3A_227, %dma_start3A_228] : memref<2x4096xi32, #tpu.memory_space<vmem>> -> memref<1x4096xi32, #tpu.memory_space<vmem>>
      %dma_start3A_230 = tpu.memref_squeeze %dma_start3A_229 : memref<1x4096xi32, #tpu.memory_space<vmem>> -> memref<4096xi32, #tpu.memory_space<vmem>>
      %dma_start3A_231 = arith.constant 8192 : i32
      %dma_start3A_232 = tpu.memref_slice %arg2[%scan3A_68, %dma_start3A_231] : memref<26x16384xi32, #tpu.memory_space<hbm>> -> memref<1x4096xi32, #tpu.memory_space<hbm>>
      %dma_start3A_233 = tpu.memref_squeeze %dma_start3A_232 : memref<1x4096xi32, #tpu.memory_space<hbm>> -> memref<4096xi32, #tpu.memory_space<hbm>>
      %dma_start3A_234 = arith.constant 0 : i32
      %dma_start3A_235 = tpu.memref_slice %arg10[%dma_start3A_227, %dma_start3A_234] : memref<2x4096xi32, #tpu.memory_space<vmem>> -> memref<1x4096xi32, #tpu.memory_space<vmem>>
      %dma_start3A_236 = tpu.memref_squeeze %dma_start3A_235 : memref<1x4096xi32, #tpu.memory_space<vmem>> -> memref<4096xi32, #tpu.memory_space<vmem>>
      %dma_start3A_237 = arith.constant 8192 : i32
      %dma_start3A_238 = tpu.memref_slice %arg2[%scan3A_68, %dma_start3A_237] : memref<26x16384xi32, #tpu.memory_space<hbm>> -> memref<1x4096xi32, #tpu.memory_space<hbm>>
      %dma_start3A_239 = tpu.memref_squeeze %dma_start3A_238 : memref<1x4096xi32, #tpu.memory_space<hbm>> -> memref<4096xi32, #tpu.memory_space<hbm>>
      tpu.enqueue_dma source(%dma_start3A_239 : memref<4096xi32, #tpu.memory_space<hbm>>) target(%dma_start3A_236 : memref<4096xi32, #tpu.memory_space<vmem>>) target_semaphore(%arg13 : memref<!tpu.dma_semaphore, #tpu.memory_space<semaphore_mem>>)
      %parallel_loop3A_240 = arith.constant 0 : i32
      %parallel_loop3A_241 = arith.constant 256 : i32
      %parallel_loop3A_242 = arith.constant 1 : i32
      scf.for %parallel_loop3A_323 = %parallel_loop3A_240 to %parallel_loop3A_241 step %parallel_loop3A_242  : i32 {
        %parallel_loop3A_324 = arith.constant 16 : i32
        %parallel_loop3A_325 = arith.muli %parallel_loop3A_323, %parallel_loop3A_324 : i32
        %parallel_loop3A_326 = arith.constant 1 : i32
        %parallel_loop3A_327 = arith.index_cast %parallel_loop3A_326 : i32 to index
        %parallel_loop3A_328 = arith.index_cast %parallel_loop3A_325 : i32 to index
        %parallel_loop3A_329 = tpu.vector_load %arg10[%parallel_loop3A_327, %parallel_loop3A_328] {strides = array<i32>} : memref<2x4096xi32, #tpu.memory_space<vmem>>, vector<16xi32>,
        %parallel_loop3A_330 = tpu.vector_load_idx %arg9[%parallel_loop3A_329] : memref<100096xf32, #tpu.memory_space<vmem>>[vector<16xi32>], vector<16xf32>,
        %parallel_loop3A_331 = arith.constant 16 : i32
        %parallel_loop3A_332 = arith.muli %parallel_loop3A_323, %parallel_loop3A_331 : i32
        %parallel_loop3A_333 = arith.constant 4096 : i32
        %parallel_loop3A_334 = arith.addi %parallel_loop3A_333, %parallel_loop3A_332 : i32
        %parallel_loop3A_335 = arith.index_cast %parallel_loop3A_334 : i32 to index
        %parallel_loop3A_336 = tpu.vector_load %arg11[%parallel_loop3A_335] {strides = array<i32>} : memref<16384xf32, #tpu.memory_space<vmem>>, vector<16xf32>,
        tpu.vector_store %arg11[%parallel_loop3A_335], %parallel_loop3A_330 {strides = array<i32>} : memref<16384xf32, #tpu.memory_space<vmem>>, vector<16xf32>,
      } {sc.loop_unroll_factor = 8 : i64, sc.parallel_access}
      %dma_start3A_243 = arith.constant 4096 : i32
      %dma_start3A_244 = tpu.memref_slice %arg11[%dma_start3A_243] : memref<16384xf32, #tpu.memory_space<vmem>> -> memref<4096xf32, #tpu.memory_space<vmem>>
      %dma_start3A_245 = arith.constant 4096 : i32
      %dma_start3A_246 = tpu.memref_slice %arg7[%add3A_71, %dma_start3A_245] : memref<832x16384xf32, #tpu.memory_space<hbm>> -> memref<1x4096xf32, #tpu.memory_space<hbm>>
      %dma_start3A_247 = tpu.memref_squeeze %dma_start3A_246 : memref<1x4096xf32, #tpu.memory_space<hbm>> -> memref<4096xf32, #tpu.memory_space<hbm>>
      %dma_start3A_248 = arith.constant 4096 : i32
      %dma_start3A_249 = tpu.memref_slice %arg7[%add3A_71, %dma_start3A_248] : memref<832x16384xf32, #tpu.memory_space<hbm>> -> memref<1x4096xf32, #tpu.memory_space<hbm>>
      %dma_start3A_250 = tpu.memref_squeeze %dma_start3A_249 : memref<1x4096xf32, #tpu.memory_space<hbm>> -> memref<4096xf32, #tpu.memory_space<hbm>>
      %dma_start3A_251 = arith.constant 4096 : i32
      %dma_start3A_252 = tpu.memref_slice %arg11[%dma_start3A_251] : memref<16384xf32, #tpu.memory_space<vmem>> -> memref<4096xf32, #tpu.memory_space<vmem>>
      tpu.enqueue_dma source(%dma_start3A_252 : memref<4096xf32, #tpu.memory_space<vmem>>) target(%dma_start3A_250 : memref<4096xf32, #tpu.memory_space<hbm>>) target_semaphore(%arg14 : memref<!tpu.dma_semaphore, #tpu.memory_space<semaphore_mem>>)
      %dma_wait3A_253 = arith.constant 0 : i32
      %dma_wait3A_254 = arith.constant 0 : i32
      %dma_wait3A_255 = tpu.memref_slice %arg10[%dma_wait3A_253, %dma_wait3A_254] : memref<2x4096xi32, #tpu.memory_space<vmem>> -> memref<1x4096xi32, #tpu.memory_space<vmem>>
      %dma_wait3A_256 = tpu.memref_squeeze %dma_wait3A_255 : memref<1x4096xi32, #tpu.memory_space<vmem>> -> memref<4096xi32, #tpu.memory_space<vmem>>
      %dma_wait3A_257 = arith.constant 8192 : i32
      %dma_wait3A_258 = tpu.memref_slice %arg2[%scan3A_68, %dma_wait3A_257] : memref<26x16384xi32, #tpu.memory_space<hbm>> -> memref<1x4096xi32, #tpu.memory_space<hbm>>
      %dma_wait3A_259 = tpu.memref_squeeze %dma_wait3A_258 : memref<1x4096xi32, #tpu.memory_space<hbm>> -> memref<4096xi32, #tpu.memory_space<hbm>>
      %dma_wait3A_260 = arith.constant 0 : i32
      %dma_wait3A_261 = tpu.memref_slice %arg10[%dma_wait3A_253, %dma_wait3A_260] : memref<2x4096xi32, #tpu.memory_space<vmem>> -> memref<1x4096xi32, #tpu.memory_space<vmem>>
      %dma_wait3A_262 = tpu.memref_squeeze %dma_wait3A_261 : memref<1x4096xi32, #tpu.memory_space<vmem>> -> memref<4096xi32, #tpu.memory_space<vmem>>
      %dma_wait3A_263 = arith.constant 8192 : i32
      %dma_wait3A_264 = tpu.memref_slice %arg2[%scan3A_68, %dma_wait3A_263] : memref<26x16384xi32, #tpu.memory_space<hbm>> -> memref<1x4096xi32, #tpu.memory_space<hbm>>
      %dma_wait3A_265 = tpu.memref_squeeze %dma_wait3A_264 : memref<1x4096xi32, #tpu.memory_space<hbm>> -> memref<4096xi32, #tpu.memory_space<hbm>>
      tpu.wait_dma2 semaphore(%arg13 : memref<!tpu.dma_semaphore, #tpu.memory_space<semaphore_mem>>) src(%dma_wait3A_265 : memref<4096xi32, #tpu.memory_space<hbm>>) dst(%dma_wait3A_262 : memref<4096xi32, #tpu.memory_space<vmem>>)
      %dma_start3A_266 = arith.constant 1 : i32
      %dma_start3A_267 = arith.constant 0 : i32
      %dma_start3A_268 = tpu.memref_slice %arg10[%dma_start3A_266, %dma_start3A_267] : memref<2x4096xi32, #tpu.memory_space<vmem>> -> memref<1x4096xi32, #tpu.memory_space<vmem>>
      %dma_start3A_269 = tpu.memref_squeeze %dma_start3A_268 : memref<1x4096xi32, #tpu.memory_space<vmem>> -> memref<4096xi32, #tpu.memory_space<vmem>>
      %dma_start3A_270 = arith.constant 12288 : i32
      %dma_start3A_271 = tpu.memref_slice %arg2[%scan3A_68, %dma_start3A_270] : memref<26x16384xi32, #tpu.memory_space<hbm>> -> memref<1x4096xi32, #tpu.memory_space<hbm>>
      %dma_start3A_272 = tpu.memref_squeeze %dma_start3A_271 : memref<1x4096xi32, #tpu.memory_space<hbm>> -> memref<4096xi32, #tpu.memory_space<hbm>>
      %dma_start3A_273 = arith.constant 0 : i32
      %dma_start3A_274 = tpu.memref_slice %arg10[%dma_start3A_266, %dma_start3A_273] : memref<2x4096xi32, #tpu.memory_space<vmem>> -> memref<1x4096xi32, #tpu.memory_space<vmem>>
      %dma_start3A_275 = tpu.memref_squeeze %dma_start3A_274 : memref<1x4096xi32, #tpu.memory_space<vmem>> -> memref<4096xi32, #tpu.memory_space<vmem>>
      %dma_start3A_276 = arith.constant 12288 : i32
      %dma_start3A_277 = tpu.memref_slice %arg2[%scan3A_68, %dma_start3A_276] : memref<26x16384xi32, #tpu.memory_space<hbm>> -> memref<1x4096xi32, #tpu.memory_space<hbm>>
      %dma_start3A_278 = tpu.memref_squeeze %dma_start3A_277 : memref<1x4096xi32, #tpu.memory_space<hbm>> -> memref<4096xi32, #tpu.memory_space<hbm>>
      tpu.enqueue_dma source(%dma_start3A_278 : memref<4096xi32, #tpu.memory_space<hbm>>) target(%dma_start3A_275 : memref<4096xi32, #tpu.memory_space<vmem>>) target_semaphore(%arg13 : memref<!tpu.dma_semaphore, #tpu.memory_space<semaphore_mem>>)
      %parallel_loop3A_279 = arith.constant 0 : i32
      %parallel_loop3A_280 = arith.constant 256 : i32
      %parallel_loop3A_281 = arith.constant 1 : i32
      scf.for %parallel_loop3A_323 = %parallel_loop3A_279 to %parallel_loop3A_280 step %parallel_loop3A_281  : i32 {
        %parallel_loop3A_324 = arith.constant 16 : i32
        %parallel_loop3A_325 = arith.muli %parallel_loop3A_323, %parallel_loop3A_324 : i32
        %parallel_loop3A_326 = arith.constant 0 : i32
        %parallel_loop3A_327 = arith.index_cast %parallel_loop3A_326 : i32 to index
        %parallel_loop3A_328 = arith.index_cast %parallel_loop3A_325 : i32 to index
        %parallel_loop3A_329 = tpu.vector_load %arg10[%parallel_loop3A_327, %parallel_loop3A_328] {strides = array<i32>} : memref<2x4096xi32, #tpu.memory_space<vmem>>, vector<16xi32>,
        %parallel_loop3A_330 = tpu.vector_load_idx %arg9[%parallel_loop3A_329] : memref<100096xf32, #tpu.memory_space<vmem>>[vector<16xi32>], vector<16xf32>,
        %parallel_loop3A_331 = arith.constant 16 : i32
        %parallel_loop3A_332 = arith.muli %parallel_loop3A_323, %parallel_loop3A_331 : i32
        %parallel_loop3A_333 = arith.constant 8192 : i32
        %parallel_loop3A_334 = arith.addi %parallel_loop3A_333, %parallel_loop3A_332 : i32
        %parallel_loop3A_335 = arith.index_cast %parallel_loop3A_334 : i32 to index
        %parallel_loop3A_336 = tpu.vector_load %arg11[%parallel_loop3A_335] {strides = array<i32>} : memref<16384xf32, #tpu.memory_space<vmem>>, vector<16xf32>,
        tpu.vector_store %arg11[%parallel_loop3A_335], %parallel_loop3A_330 {strides = array<i32>} : memref<16384xf32, #tpu.memory_space<vmem>>, vector<16xf32>,
      } {sc.loop_unroll_factor = 8 : i64, sc.parallel_access}
      %dma_start3A_282 = arith.constant 8192 : i32
      %dma_start3A_283 = tpu.memref_slice %arg11[%dma_start3A_282] : memref<16384xf32, #tpu.memory_space<vmem>> -> memref<4096xf32, #tpu.memory_space<vmem>>
      %dma_start3A_284 = arith.constant 8192 : i32
      %dma_start3A_285 = tpu.memref_slice %arg7[%add3A_71, %dma_start3A_284] : memref<832x16384xf32, #tpu.memory_space<hbm>> -> memref<1x4096xf32, #tpu.memory_space<hbm>>
      %dma_start3A_286 = tpu.memref_squeeze %dma_start3A_285 : memref<1x4096xf32, #tpu.memory_space<hbm>> -> memref<4096xf32, #tpu.memory_space<hbm>>
      %dma_start3A_287 = arith.constant 8192 : i32
      %dma_start3A_288 = tpu.memref_slice %arg7[%add3A_71, %dma_start3A_287] : memref<832x16384xf32, #tpu.memory_space<hbm>> -> memref<1x4096xf32, #tpu.memory_space<hbm>>
      %dma_start3A_289 = tpu.memref_squeeze %dma_start3A_288 : memref<1x4096xf32, #tpu.memory_space<hbm>> -> memref<4096xf32, #tpu.memory_space<hbm>>
      %dma_start3A_290 = arith.constant 8192 : i32
      %dma_start3A_291 = tpu.memref_slice %arg11[%dma_start3A_290] : memref<16384xf32, #tpu.memory_space<vmem>> -> memref<4096xf32, #tpu.memory_space<vmem>>
      tpu.enqueue_dma source(%dma_start3A_291 : memref<4096xf32, #tpu.memory_space<vmem>>) target(%dma_start3A_289 : memref<4096xf32, #tpu.memory_space<hbm>>) target_semaphore(%arg14 : memref<!tpu.dma_semaphore, #tpu.memory_space<semaphore_mem>>)
      %dma_wait3A_292 = arith.constant 1 : i32
      %dma_wait3A_293 = arith.constant 0 : i32
      %dma_wait3A_294 = tpu.memref_slice %arg10[%dma_wait3A_292, %dma_wait3A_293] : memref<2x4096xi32, #tpu.memory_space<vmem>> -> memref<1x4096xi32, #tpu.memory_space<vmem>>
      %dma_wait3A_295 = tpu.memref_squeeze %dma_wait3A_294 : memref<1x4096xi32, #tpu.memory_space<vmem>> -> memref<4096xi32, #tpu.memory_space<vmem>>
      %dma_wait3A_296 = arith.constant 12288 : i32
      %dma_wait3A_297 = tpu.memref_slice %arg2[%scan3A_68, %dma_wait3A_296] : memref<26x16384xi32, #tpu.memory_space<hbm>> -> memref<1x4096xi32, #tpu.memory_space<hbm>>
      %dma_wait3A_298 = tpu.memref_squeeze %dma_wait3A_297 : memref<1x4096xi32, #tpu.memory_space<hbm>> -> memref<4096xi32, #tpu.memory_space<hbm>>
      %dma_wait3A_299 = arith.constant 0 : i32
      %dma_wait3A_300 = tpu.memref_slice %arg10[%dma_wait3A_292, %dma_wait3A_299] : memref<2x4096xi32, #tpu.memory_space<vmem>> -> memref<1x4096xi32, #tpu.memory_space<vmem>>
      %dma_wait3A_301 = tpu.memref_squeeze %dma_wait3A_300 : memref<1x4096xi32, #tpu.memory_space<vmem>> -> memref<4096xi32, #tpu.memory_space<vmem>>
      %dma_wait3A_302 = arith.constant 12288 : i32
      %dma_wait3A_303 = tpu.memref_slice %arg2[%scan3A_68, %dma_wait3A_302] : memref<26x16384xi32, #tpu.memory_space<hbm>> -> memref<1x4096xi32, #tpu.memory_space<hbm>>
      %dma_wait3A_304 = tpu.memref_squeeze %dma_wait3A_303 : memref<1x4096xi32, #tpu.memory_space<hbm>> -> memref<4096xi32, #tpu.memory_space<hbm>>
      tpu.wait_dma2 semaphore(%arg13 : memref<!tpu.dma_semaphore, #tpu.memory_space<semaphore_mem>>) src(%dma_wait3A_304 : memref<4096xi32, #tpu.memory_space<hbm>>) dst(%dma_wait3A_301 : memref<4096xi32, #tpu.memory_space<vmem>>)
      %parallel_loop3A_305 = arith.constant 0 : i32
      %parallel_loop3A_306 = arith.constant 256 : i32
      %parallel_loop3A_307 = arith.constant 1 : i32
      scf.for %parallel_loop3A_323 = %parallel_loop3A_305 to %parallel_loop3A_306 step %parallel_loop3A_307  : i32 {
        %parallel_loop3A_324 = arith.constant 16 : i32
        %parallel_loop3A_325 = arith.muli %parallel_loop3A_323, %parallel_loop3A_324 : i32
        %parallel_loop3A_326 = arith.constant 1 : i32
        %parallel_loop3A_327 = arith.index_cast %parallel_loop3A_326 : i32 to index
        %parallel_loop3A_328 = arith.index_cast %parallel_loop3A_325 : i32 to index
        %parallel_loop3A_329 = tpu.vector_load %arg10[%parallel_loop3A_327, %parallel_loop3A_328] {strides = array<i32>} : memref<2x4096xi32, #tpu.memory_space<vmem>>, vector<16xi32>,
        %parallel_loop3A_330 = tpu.vector_load_idx %arg9[%parallel_loop3A_329] : memref<100096xf32, #tpu.memory_space<vmem>>[vector<16xi32>], vector<16xf32>,
        %parallel_loop3A_331 = arith.constant 16 : i32
        %parallel_loop3A_332 = arith.muli %parallel_loop3A_323, %parallel_loop3A_331 : i32
        %parallel_loop3A_333 = arith.constant 12288 : i32
        %parallel_loop3A_334 = arith.addi %parallel_loop3A_333, %parallel_loop3A_332 : i32
        %parallel_loop3A_335 = arith.index_cast %parallel_loop3A_334 : i32 to index
        %parallel_loop3A_336 = tpu.vector_load %arg11[%parallel_loop3A_335] {strides = array<i32>} : memref<16384xf32, #tpu.memory_space<vmem>>, vector<16xf32>,
        tpu.vector_store %arg11[%parallel_loop3A_335], %parallel_loop3A_330 {strides = array<i32>} : memref<16384xf32, #tpu.memory_space<vmem>>, vector<16xf32>,
      } {sc.loop_unroll_factor = 8 : i64, sc.parallel_access}
      %dma_start3A_308 = arith.constant 12288 : i32
      %dma_start3A_309 = tpu.memref_slice %arg11[%dma_start3A_308] : memref<16384xf32, #tpu.memory_space<vmem>> -> memref<4096xf32, #tpu.memory_space<vmem>>
      %dma_start3A_310 = arith.constant 12288 : i32
      %dma_start3A_311 = tpu.memref_slice %arg7[%add3A_71, %dma_start3A_310] : memref<832x16384xf32, #tpu.memory_space<hbm>> -> memref<1x4096xf32, #tpu.memory_space<hbm>>
      %dma_start3A_312 = tpu.memref_squeeze %dma_start3A_311 : memref<1x4096xf32, #tpu.memory_space<hbm>> -> memref<4096xf32, #tpu.memory_space<hbm>>
      %dma_start3A_313 = arith.constant 12288 : i32
      %dma_start3A_314 = tpu.memref_slice %arg7[%add3A_71, %dma_start3A_313] : memref<832x16384xf32, #tpu.memory_space<hbm>> -> memref<1x4096xf32, #tpu.memory_space<hbm>>
      %dma_start3A_315 = tpu.memref_squeeze %dma_start3A_314 : memref<1x4096xf32, #tpu.memory_space<hbm>> -> memref<4096xf32, #tpu.memory_space<hbm>>
      %dma_start3A_316 = arith.constant 12288 : i32
      %dma_start3A_317 = tpu.memref_slice %arg11[%dma_start3A_316] : memref<16384xf32, #tpu.memory_space<vmem>> -> memref<4096xf32, #tpu.memory_space<vmem>>
      tpu.enqueue_dma source(%dma_start3A_317 : memref<4096xf32, #tpu.memory_space<vmem>>) target(%dma_start3A_315 : memref<4096xf32, #tpu.memory_space<hbm>>) target_semaphore(%arg14 : memref<!tpu.dma_semaphore, #tpu.memory_space<semaphore_mem>>)
      %lt3A_318 = arith.constant 25 : i32
      %lt3A_319 = arith.cmpi slt, %scan3A_68, %lt3A_318 : i32
      %convert_element_type3A_320 = arith.extui %lt3A_319 : i1 to i32
      %cond3A_321 = arith.constant 0 : i32
      %cond3A_322 = arith.cmpi ne, %convert_element_type3A_320, %cond3A_321 : i32
      scf.if %cond3A_322 {
        %add3A_323 = arith.constant 1 : i32
        %add3A_324 = arith.addi %scan3A_68, %add3A_323 : i32
        %dma_start3A_325 = arith.constant 0 : i32
        %dma_start3A_326 = arith.constant 0 : i32
        %dma_start3A_327 = tpu.memref_slice %arg10[%dma_start3A_325, %dma_start3A_326] : memref<2x4096xi32, #tpu.memory_space<vmem>> -> memref<1x4096xi32, #tpu.memory_space<vmem>>
        %dma_start3A_328 = tpu.memref_squeeze %dma_start3A_327 : memref<1x4096xi32, #tpu.memory_space<vmem>> -> memref<4096xi32, #tpu.memory_space<vmem>>
        %dma_start3A_329 = arith.constant 0 : i32
        %dma_start3A_330 = tpu.memref_slice %arg2[%add3A_324, %dma_start3A_329] : memref<26x16384xi32, #tpu.memory_space<hbm>> -> memref<1x4096xi32, #tpu.memory_space<hbm>>
        %dma_start3A_331 = tpu.memref_squeeze %dma_start3A_330 : memref<1x4096xi32, #tpu.memory_space<hbm>> -> memref<4096xi32, #tpu.memory_space<hbm>>
        %dma_start3A_332 = arith.constant 0 : i32
        %dma_start3A_333 = tpu.memref_slice %arg10[%dma_start3A_325, %dma_start3A_332] : memref<2x4096xi32, #tpu.memory_space<vmem>> -> memref<1x4096xi32, #tpu.memory_space<vmem>>
        %dma_start3A_334 = tpu.memref_squeeze %dma_start3A_333 : memref<1x4096xi32, #tpu.memory_space<vmem>> -> memref<4096xi32, #tpu.memory_space<vmem>>
        %dma_start3A_335 = arith.constant 0 : i32
        %dma_start3A_336 = tpu.memref_slice %arg2[%add3A_324, %dma_start3A_335] : memref<26x16384xi32, #tpu.memory_space<hbm>> -> memref<1x4096xi32, #tpu.memory_space<hbm>>
        %dma_start3A_337 = tpu.memref_squeeze %dma_start3A_336 : memref<1x4096xi32, #tpu.memory_space<hbm>> -> memref<4096xi32, #tpu.memory_space<hbm>>
        tpu.enqueue_dma source(%dma_start3A_337 : memref<4096xi32, #tpu.memory_space<hbm>>) target(%dma_start3A_334 : memref<4096xi32, #tpu.memory_space<vmem>>) target_semaphore(%arg13 : memref<!tpu.dma_semaphore, #tpu.memory_space<semaphore_mem>>)
      } else {
      }
    }
    %scan3A_18 = arith.constant 26 : i32
    %add3A_19 = arith.constant 800 : i32
    %add3A_20 = arith.addi %add3A_19, %add3A : i32
    %dma_wait3A = arith.constant 0 : i32
    %dma_wait3A_21 = tpu.memref_slice %arg11[%dma_wait3A] : memref<16384xf32, #tpu.memory_space<vmem>> -> memref<4096xf32, #tpu.memory_space<vmem>>
    %dma_wait3A_22 = arith.constant 0 : i32
    %dma_wait3A_23 = tpu.memref_slice %arg7[%add3A_20, %dma_wait3A_22] : memref<832x16384xf32, #tpu.memory_space<hbm>> -> memref<1x4096xf32, #tpu.memory_space<hbm>>
    %dma_wait3A_24 = tpu.memref_squeeze %dma_wait3A_23 : memref<1x4096xf32, #tpu.memory_space<hbm>> -> memref<4096xf32, #tpu.memory_space<hbm>>
    %dma_wait3A_25 = arith.constant 0 : i32
    %dma_wait3A_26 = tpu.memref_slice %arg7[%add3A_20, %dma_wait3A_25] : memref<832x16384xf32, #tpu.memory_space<hbm>> -> memref<1x4096xf32, #tpu.memory_space<hbm>>
    %dma_wait3A_27 = tpu.memref_squeeze %dma_wait3A_26 : memref<1x4096xf32, #tpu.memory_space<hbm>> -> memref<4096xf32, #tpu.memory_space<hbm>>
    %dma_wait3A_28 = arith.constant 0 : i32
    %dma_wait3A_29 = tpu.memref_slice %arg11[%dma_wait3A_28] : memref<16384xf32, #tpu.memory_space<vmem>> -> memref<4096xf32, #tpu.memory_space<vmem>>
    tpu.wait_dma2 semaphore(%arg14 : memref<!tpu.dma_semaphore, #tpu.memory_space<semaphore_mem>>) src(%dma_wait3A_29 : memref<4096xf32, #tpu.memory_space<vmem>>) dst(%dma_wait3A_27 : memref<4096xf32, #tpu.memory_space<hbm>>)
    %add3A_30 = arith.constant 800 : i32
    %add3A_31 = arith.addi %add3A_30, %add3A : i32
    %dma_wait3A_32 = arith.constant 4096 : i32
    %dma_wait3A_33 = tpu.memref_slice %arg11[%dma_wait3A_32] : memref<16384xf32, #tpu.memory_space<vmem>> -> memref<4096xf32, #tpu.memory_space<vmem>>
    %dma_wait3A_34 = arith.constant 4096 : i32
    %dma_wait3A_35 = tpu.memref_slice %arg7[%add3A_31, %dma_wait3A_34] : memref<832x16384xf32, #tpu.memory_space<hbm>> -> memref<1x4096xf32, #tpu.memory_space<hbm>>
    %dma_wait3A_36 = tpu.memref_squeeze %dma_wait3A_35 : memref<1x4096xf32, #tpu.memory_space<hbm>> -> memref<4096xf32, #tpu.memory_space<hbm>>
    %dma_wait3A_37 = arith.constant 4096 : i32
    %dma_wait3A_38 = tpu.memref_slice %arg7[%add3A_31, %dma_wait3A_37] : memref<832x16384xf32, #tpu.memory_space<hbm>> -> memref<1x4096xf32, #tpu.memory_space<hbm>>
    %dma_wait3A_39 = tpu.memref_squeeze %dma_wait3A_38 : memref<1x4096xf32, #tpu.memory_space<hbm>> -> memref<4096xf32, #tpu.memory_space<hbm>>
    %dma_wait3A_40 = arith.constant 4096 : i32
    %dma_wait3A_41 = tpu.memref_slice %arg11[%dma_wait3A_40] : memref<16384xf32, #tpu.memory_space<vmem>> -> memref<4096xf32, #tpu.memory_space<vmem>>
    tpu.wait_dma2 semaphore(%arg14 : memref<!tpu.dma_semaphore, #tpu.memory_space<semaphore_mem>>) src(%dma_wait3A_41 : memref<4096xf32, #tpu.memory_space<vmem>>) dst(%dma_wait3A_39 : memref<4096xf32, #tpu.memory_space<hbm>>)
    %add3A_42 = arith.constant 800 : i32
    %add3A_43 = arith.addi %add3A_42, %add3A : i32
    %dma_wait3A_44 = arith.constant 8192 : i32
    %dma_wait3A_45 = tpu.memref_slice %arg11[%dma_wait3A_44] : memref<16384xf32, #tpu.memory_space<vmem>> -> memref<4096xf32, #tpu.memory_space<vmem>>
    %dma_wait3A_46 = arith.constant 8192 : i32
    %dma_wait3A_47 = tpu.memref_slice %arg7[%add3A_43, %dma_wait3A_46] : memref<832x16384xf32, #tpu.memory_space<hbm>> -> memref<1x4096xf32, #tpu.memory_space<hbm>>
    %dma_wait3A_48 = tpu.memref_squeeze %dma_wait3A_47 : memref<1x4096xf32, #tpu.memory_space<hbm>> -> memref<4096xf32, #tpu.memory_space<hbm>>
    %dma_wait3A_49 = arith.constant 8192 : i32
    %dma_wait3A_50 = tpu.memref_slice %arg7[%add3A_43, %dma_wait3A_49] : memref<832x16384xf32, #tpu.memory_space<hbm>> -> memref<1x4096xf32, #tpu.memory_space<hbm>>
    %dma_wait3A_51 = tpu.memref_squeeze %dma_wait3A_50 : memref<1x4096xf32, #tpu.memory_space<hbm>> -> memref<4096xf32, #tpu.memory_space<hbm>>
    %dma_wait3A_52 = arith.constant 8192 : i32
    %dma_wait3A_53 = tpu.memref_slice %arg11[%dma_wait3A_52] : memref<16384xf32, #tpu.memory_space<vmem>> -> memref<4096xf32, #tpu.memory_space<vmem>>
    tpu.wait_dma2 semaphore(%arg14 : memref<!tpu.dma_semaphore, #tpu.memory_space<semaphore_mem>>) src(%dma_wait3A_53 : memref<4096xf32, #tpu.memory_space<vmem>>) dst(%dma_wait3A_51 : memref<4096xf32, #tpu.memory_space<hbm>>)
    %add3A_54 = arith.constant 800 : i32
    %add3A_55 = arith.addi %add3A_54, %add3A : i32
    %dma_wait3A_56 = arith.constant 12288 : i32
    %dma_wait3A_57 = tpu.memref_slice %arg11[%dma_wait3A_56] : memref<16384xf32, #tpu.memory_space<vmem>> -> memref<4096xf32, #tpu.memory_space<vmem>>
    %dma_wait3A_58 = arith.constant 12288 : i32
    %dma_wait3A_59 = tpu.memref_slice %arg7[%add3A_55, %dma_wait3A_58] : memref<832x16384xf32, #tpu.memory_space<hbm>> -> memref<1x4096xf32, #tpu.memory_space<hbm>>
    %dma_wait3A_60 = tpu.memref_squeeze %dma_wait3A_59 : memref<1x4096xf32, #tpu.memory_space<hbm>> -> memref<4096xf32, #tpu.memory_space<hbm>>
    %dma_wait3A_61 = arith.constant 12288 : i32
    %dma_wait3A_62 = tpu.memref_slice %arg7[%add3A_55, %dma_wait3A_61] : memref<832x16384xf32, #tpu.memory_space<hbm>> -> memref<1x4096xf32, #tpu.memory_space<hbm>>
    %dma_wait3A_63 = tpu.memref_squeeze %dma_wait3A_62 : memref<1x4096xf32, #tpu.memory_space<hbm>> -> memref<4096xf32, #tpu.memory_space<hbm>>
    %dma_wait3A_64 = arith.constant 12288 : i32
    %dma_wait3A_65 = tpu.memref_slice %arg11[%dma_wait3A_64] : memref<16384xf32, #tpu.memory_space<vmem>> -> memref<4096xf32, #tpu.memory_space<vmem>>
    tpu.wait_dma2 semaphore(%arg14 : memref<!tpu.dma_semaphore, #tpu.memory_space<semaphore_mem>>) src(%dma_wait3A_65 : memref<4096xf32, #tpu.memory_space<vmem>>) dst(%dma_wait3A_63 : memref<4096xf32, #tpu.memory_space<hbm>>)
    %lt3A = arith.constant 26 : i32
    %lt3A_66 = arith.cmpi slt, %add3A, %lt3A : i32
    %convert_element_type3A = arith.extui %lt3A_66 : i1 to i32
    %cond3A = arith.constant 0 : i32
    %cond3A_67 = arith.cmpi ne, %convert_element_type3A, %cond3A : i32
    scf.if %cond3A_67 {
      %dma_start3A_68 = arith.constant 0 : i32
      %dma_start3A_69 = tpu.memref_slice %arg9[%dma_start3A_68] : memref<100096xf32, #tpu.memory_space<vmem>> -> memref<25088xf32, #tpu.memory_space<vmem>>
      %dma_start3A_70 = arith.constant 0 : i32
      %dma_start3A_71 = tpu.memref_slice %arg5[%add3A, %dma_start3A_70] : memref<26x100000xf32, #tpu.memory_space<hbm>> -> memref<1x25088xf32, #tpu.memory_space<hbm>>
      %dma_start3A_72 = tpu.memref_squeeze %dma_start3A_71 : memref<1x25088xf32, #tpu.memory_space<hbm>> -> memref<25088xf32, #tpu.memory_space<hbm>>
      %dma_start3A_73 = arith.constant 0 : i32
      %dma_start3A_74 = tpu.memref_slice %arg9[%dma_start3A_73] : memref<100096xf32, #tpu.memory_space<vmem>> -> memref<25088xf32, #tpu.memory_space<vmem>>
      %dma_start3A_75 = arith.constant 0 : i32
      %dma_start3A_76 = tpu.memref_slice %arg5[%add3A, %dma_start3A_75] : memref<26x100000xf32, #tpu.memory_space<hbm>> -> memref<1x25088xf32, #tpu.memory_space<hbm>>
      %dma_start3A_77 = tpu.memref_squeeze %dma_start3A_76 : memref<1x25088xf32, #tpu.memory_space<hbm>> -> memref<25088xf32, #tpu.memory_space<hbm>>
      tpu.enqueue_dma source(%dma_start3A_77 : memref<25088xf32, #tpu.memory_space<hbm>>) target(%dma_start3A_74 : memref<25088xf32, #tpu.memory_space<vmem>>) target_semaphore(%arg12 : memref<!tpu.dma_semaphore, #tpu.memory_space<semaphore_mem>>)
      %dma_start3A_78 = arith.constant 25088 : i32
      %dma_start3A_79 = tpu.memref_slice %arg9[%dma_start3A_78] : memref<100096xf32, #tpu.memory_space<vmem>> -> memref<25088xf32, #tpu.memory_space<vmem>>
      %dma_start3A_80 = arith.constant 25088 : i32
      %dma_start3A_81 = tpu.memref_slice %arg5[%add3A, %dma_start3A_80] : memref<26x100000xf32, #tpu.memory_space<hbm>> -> memref<1x25088xf32, #tpu.memory_space<hbm>>
      %dma_start3A_82 = tpu.memref_squeeze %dma_start3A_81 : memref<1x25088xf32, #tpu.memory_space<hbm>> -> memref<25088xf32, #tpu.memory_space<hbm>>
      %dma_start3A_83 = arith.constant 25088 : i32
      %dma_start3A_84 = tpu.memref_slice %arg9[%dma_start3A_83] : memref<100096xf32, #tpu.memory_space<vmem>> -> memref<25088xf32, #tpu.memory_space<vmem>>
      %dma_start3A_85 = arith.constant 25088 : i32
      %dma_start3A_86 = tpu.memref_slice %arg5[%add3A, %dma_start3A_85] : memref<26x100000xf32, #tpu.memory_space<hbm>> -> memref<1x25088xf32, #tpu.memory_space<hbm>>
      %dma_start3A_87 = tpu.memref_squeeze %dma_start3A_86 : memref<1x25088xf32, #tpu.memory_space<hbm>> -> memref<25088xf32, #tpu.memory_space<hbm>>
      tpu.enqueue_dma source(%dma_start3A_87 : memref<25088xf32, #tpu.memory_space<hbm>>) target(%dma_start3A_84 : memref<25088xf32, #tpu.memory_space<vmem>>) target_semaphore(%arg12 : memref<!tpu.dma_semaphore, #tpu.memory_space<semaphore_mem>>)
      %dma_start3A_88 = arith.constant 50176 : i32
      %dma_start3A_89 = tpu.memref_slice %arg9[%dma_start3A_88] : memref<100096xf32, #tpu.memory_space<vmem>> -> memref<25088xf32, #tpu.memory_space<vmem>>
      %dma_start3A_90 = arith.constant 50176 : i32
      %dma_start3A_91 = tpu.memref_slice %arg5[%add3A, %dma_start3A_90] : memref<26x100000xf32, #tpu.memory_space<hbm>> -> memref<1x25088xf32, #tpu.memory_space<hbm>>
      %dma_start3A_92 = tpu.memref_squeeze %dma_start3A_91 : memref<1x25088xf32, #tpu.memory_space<hbm>> -> memref<25088xf32, #tpu.memory_space<hbm>>
      %dma_start3A_93 = arith.constant 50176 : i32
      %dma_start3A_94 = tpu.memref_slice %arg9[%dma_start3A_93] : memref<100096xf32, #tpu.memory_space<vmem>> -> memref<25088xf32, #tpu.memory_space<vmem>>
      %dma_start3A_95 = arith.constant 50176 : i32
      %dma_start3A_96 = tpu.memref_slice %arg5[%add3A, %dma_start3A_95] : memref<26x100000xf32, #tpu.memory_space<hbm>> -> memref<1x25088xf32, #tpu.memory_space<hbm>>
      %dma_start3A_97 = tpu.memref_squeeze %dma_start3A_96 : memref<1x25088xf32, #tpu.memory_space<hbm>> -> memref<25088xf32, #tpu.memory_space<hbm>>
      tpu.enqueue_dma source(%dma_start3A_97 : memref<25088xf32, #tpu.memory_space<hbm>>) target(%dma_start3A_94 : memref<25088xf32, #tpu.memory_space<vmem>>) target_semaphore(%arg12 : memref<!tpu.dma_semaphore, #tpu.memory_space<semaphore_mem>>)
      %dma_start3A_98 = arith.constant 75264 : i32
      %dma_start3A_99 = tpu.memref_slice %arg9[%dma_start3A_98] : memref<100096xf32, #tpu.memory_space<vmem>> -> memref<24704xf32, #tpu.memory_space<vmem>>
      %dma_start3A_100 = arith.constant 75264 : i32
      %dma_start3A_101 = tpu.memref_slice %arg5[%add3A, %dma_start3A_100] : memref<26x100000xf32, #tpu.memory_space<hbm>> -> memref<1x24704xf32, #tpu.memory_space<hbm>>
      %dma_start3A_102 = tpu.memref_squeeze %dma_start3A_101 : memref<1x24704xf32, #tpu.memory_space<hbm>> -> memref<24704xf32, #tpu.memory_space<hbm>>
      %dma_start3A_103 = arith.constant 75264 : i32
      %dma_start3A_104 = tpu.memref_slice %arg9[%dma_start3A_103] : memref<100096xf32, #tpu.memory_space<vmem>> -> memref<24704xf32, #tpu.memory_space<vmem>>
      %dma_start3A_105 = arith.constant 75264 : i32
      %dma_start3A_106 = tpu.memref_slice %arg5[%add3A, %dma_start3A_105] : memref<26x100000xf32, #tpu.memory_space<hbm>> -> memref<1x24704xf32, #tpu.memory_space<hbm>>
      %dma_start3A_107 = tpu.memref_squeeze %dma_start3A_106 : memref<1x24704xf32, #tpu.memory_space<hbm>> -> memref<24704xf32, #tpu.memory_space<hbm>>
      tpu.enqueue_dma source(%dma_start3A_107 : memref<24704xf32, #tpu.memory_space<hbm>>) target(%dma_start3A_104 : memref<24704xf32, #tpu.memory_space<vmem>>) target_semaphore(%arg12 : memref<!tpu.dma_semaphore, #tpu.memory_space<semaphore_mem>>)
      %dma_start3A_108 = arith.constant 99968 : i32
      %dma_start3A_109 = tpu.memref_slice %arg9[%dma_start3A_108] : memref<100096xf32, #tpu.memory_space<vmem>> -> memref<128xf32, #tpu.memory_space<vmem>>
      %dma_start3A_110 = arith.constant 0 : i32
      %dma_start3A_111 = tpu.memref_slice %arg6[%add3A, %dma_start3A_110] : memref<26x128xf32, #tpu.memory_space<hbm>> -> memref<1x128xf32, #tpu.memory_space<hbm>>
      %dma_start3A_112 = tpu.memref_squeeze %dma_start3A_111 : memref<1x128xf32, #tpu.memory_space<hbm>> -> memref<128xf32, #tpu.memory_space<hbm>>
      %dma_start3A_113 = arith.constant 99968 : i32
      %dma_start3A_114 = tpu.memref_slice %arg9[%dma_start3A_113] : memref<100096xf32, #tpu.memory_space<vmem>> -> memref<128xf32, #tpu.memory_space<vmem>>
      %dma_start3A_115 = arith.constant 0 : i32
      %dma_start3A_116 = tpu.memref_slice %arg6[%add3A, %dma_start3A_115] : memref<26x128xf32, #tpu.memory_space<hbm>> -> memref<1x128xf32, #tpu.memory_space<hbm>>
      %dma_start3A_117 = tpu.memref_squeeze %dma_start3A_116 : memref<1x128xf32, #tpu.memory_space<hbm>> -> memref<128xf32, #tpu.memory_space<hbm>>
      tpu.enqueue_dma source(%dma_start3A_117 : memref<128xf32, #tpu.memory_space<hbm>>) target(%dma_start3A_114 : memref<128xf32, #tpu.memory_space<vmem>>) target_semaphore(%arg12 : memref<!tpu.dma_semaphore, #tpu.memory_space<semaphore_mem>>)
      %dma_wait3A_118 = arith.constant 0 : i32
      %dma_wait3A_119 = tpu.memref_slice %arg9[%dma_wait3A_118] : memref<100096xf32, #tpu.memory_space<vmem>> -> memref<25088xf32, #tpu.memory_space<vmem>>
      %dma_wait3A_120 = arith.constant 0 : i32
      %dma_wait3A_121 = tpu.memref_slice %arg5[%add3A, %dma_wait3A_120] : memref<26x100000xf32, #tpu.memory_space<hbm>> -> memref<1x25088xf32, #tpu.memory_space<hbm>>
      %dma_wait3A_122 = tpu.memref_squeeze %dma_wait3A_121 : memref<1x25088xf32, #tpu.memory_space<hbm>> -> memref<25088xf32, #tpu.memory_space<hbm>>
      %dma_wait3A_123 = arith.constant 0 : i32
      %dma_wait3A_124 = tpu.memref_slice %arg9[%dma_wait3A_123] : memref<100096xf32, #tpu.memory_space<vmem>> -> memref<25088xf32, #tpu.memory_space<vmem>>
      %dma_wait3A_125 = arith.constant 0 : i32
      %dma_wait3A_126 = tpu.memref_slice %arg5[%add3A, %dma_wait3A_125] : memref<26x100000xf32, #tpu.memory_space<hbm>> -> memref<1x25088xf32, #tpu.memory_space<hbm>>
      %dma_wait3A_127 = tpu.memref_squeeze %dma_wait3A_126 : memref<1x25088xf32, #tpu.memory_space<hbm>> -> memref<25088xf32, #tpu.memory_space<hbm>>
      tpu.wait_dma2 semaphore(%arg12 : memref<!tpu.dma_semaphore, #tpu.memory_space<semaphore_mem>>) src(%dma_wait3A_127 : memref<25088xf32, #tpu.memory_space<hbm>>) dst(%dma_wait3A_124 : memref<25088xf32, #tpu.memory_space<vmem>>)
      %dma_wait3A_128 = arith.constant 25088 : i32
      %dma_wait3A_129 = tpu.memref_slice %arg9[%dma_wait3A_128] : memref<100096xf32, #tpu.memory_space<vmem>> -> memref<25088xf32, #tpu.memory_space<vmem>>
      %dma_wait3A_130 = arith.constant 25088 : i32
      %dma_wait3A_131 = tpu.memref_slice %arg5[%add3A, %dma_wait3A_130] : memref<26x100000xf32, #tpu.memory_space<hbm>> -> memref<1x25088xf32, #tpu.memory_space<hbm>>
      %dma_wait3A_132 = tpu.memref_squeeze %dma_wait3A_131 : memref<1x25088xf32, #tpu.memory_space<hbm>> -> memref<25088xf32, #tpu.memory_space<hbm>>
      %dma_wait3A_133 = arith.constant 25088 : i32
      %dma_wait3A_134 = tpu.memref_slice %arg9[%dma_wait3A_133] : memref<100096xf32, #tpu.memory_space<vmem>> -> memref<25088xf32, #tpu.memory_space<vmem>>
      %dma_wait3A_135 = arith.constant 25088 : i32
      %dma_wait3A_136 = tpu.memref_slice %arg5[%add3A, %dma_wait3A_135] : memref<26x100000xf32, #tpu.memory_space<hbm>> -> memref<1x25088xf32, #tpu.memory_space<hbm>>
      %dma_wait3A_137 = tpu.memref_squeeze %dma_wait3A_136 : memref<1x25088xf32, #tpu.memory_space<hbm>> -> memref<25088xf32, #tpu.memory_space<hbm>>
      tpu.wait_dma2 semaphore(%arg12 : memref<!tpu.dma_semaphore, #tpu.memory_space<semaphore_mem>>) src(%dma_wait3A_137 : memref<25088xf32, #tpu.memory_space<hbm>>) dst(%dma_wait3A_134 : memref<25088xf32, #tpu.memory_space<vmem>>)
      %dma_wait3A_138 = arith.constant 50176 : i32
      %dma_wait3A_139 = tpu.memref_slice %arg9[%dma_wait3A_138] : memref<100096xf32, #tpu.memory_space<vmem>> -> memref<25088xf32, #tpu.memory_space<vmem>>
      %dma_wait3A_140 = arith.constant 50176 : i32
      %dma_wait3A_141 = tpu.memref_slice %arg5[%add3A, %dma_wait3A_140] : memref<26x100000xf32, #tpu.memory_space<hbm>> -> memref<1x25088xf32, #tpu.memory_space<hbm>>
      %dma_wait3A_142 = tpu.memref_squeeze %dma_wait3A_141 : memref<1x25088xf32, #tpu.memory_space<hbm>> -> memref<25088xf32, #tpu.memory_space<hbm>>
      %dma_wait3A_143 = arith.constant 50176 : i32
      %dma_wait3A_144 = tpu.memref_slice %arg9[%dma_wait3A_143] : memref<100096xf32, #tpu.memory_space<vmem>> -> memref<25088xf32, #tpu.memory_space<vmem>>
      %dma_wait3A_145 = arith.constant 50176 : i32
      %dma_wait3A_146 = tpu.memref_slice %arg5[%add3A, %dma_wait3A_145] : memref<26x100000xf32, #tpu.memory_space<hbm>> -> memref<1x25088xf32, #tpu.memory_space<hbm>>
      %dma_wait3A_147 = tpu.memref_squeeze %dma_wait3A_146 : memref<1x25088xf32, #tpu.memory_space<hbm>> -> memref<25088xf32, #tpu.memory_space<hbm>>
      tpu.wait_dma2 semaphore(%arg12 : memref<!tpu.dma_semaphore, #tpu.memory_space<semaphore_mem>>) src(%dma_wait3A_147 : memref<25088xf32, #tpu.memory_space<hbm>>) dst(%dma_wait3A_144 : memref<25088xf32, #tpu.memory_space<vmem>>)
      %dma_wait3A_148 = arith.constant 75264 : i32
      %dma_wait3A_149 = tpu.memref_slice %arg9[%dma_wait3A_148] : memref<100096xf32, #tpu.memory_space<vmem>> -> memref<24704xf32, #tpu.memory_space<vmem>>
      %dma_wait3A_150 = arith.constant 75264 : i32
      %dma_wait3A_151 = tpu.memref_slice %arg5[%add3A, %dma_wait3A_150] : memref<26x100000xf32, #tpu.memory_space<hbm>> -> memref<1x24704xf32, #tpu.memory_space<hbm>>
      %dma_wait3A_152 = tpu.memref_squeeze %dma_wait3A_151 : memref<1x24704xf32, #tpu.memory_space<hbm>> -> memref<24704xf32, #tpu.memory_space<hbm>>
      %dma_wait3A_153 = arith.constant 75264 : i32
      %dma_wait3A_154 = tpu.memref_slice %arg9[%dma_wait3A_153] : memref<100096xf32, #tpu.memory_space<vmem>> -> memref<24704xf32, #tpu.memory_space<vmem>>
      %dma_wait3A_155 = arith.constant 75264 : i32
      %dma_wait3A_156 = tpu.memref_slice %arg5[%add3A, %dma_wait3A_155] : memref<26x100000xf32, #tpu.memory_space<hbm>> -> memref<1x24704xf32, #tpu.memory_space<hbm>>
      %dma_wait3A_157 = tpu.memref_squeeze %dma_wait3A_156 : memref<1x24704xf32, #tpu.memory_space<hbm>> -> memref<24704xf32, #tpu.memory_space<hbm>>
      tpu.wait_dma2 semaphore(%arg12 : memref<!tpu.dma_semaphore, #tpu.memory_space<semaphore_mem>>) src(%dma_wait3A_157 : memref<24704xf32, #tpu.memory_space<hbm>>) dst(%dma_wait3A_154 : memref<24704xf32, #tpu.memory_space<vmem>>)
      %dma_wait3A_158 = arith.constant 99968 : i32
      %dma_wait3A_159 = tpu.memref_slice %arg9[%dma_wait3A_158] : memref<100096xf32, #tpu.memory_space<vmem>> -> memref<128xf32, #tpu.memory_space<vmem>>
      %dma_wait3A_160 = arith.constant 0 : i32
      %dma_wait3A_161 = tpu.memref_slice %arg6[%add3A, %dma_wait3A_160] : memref<26x128xf32, #tpu.memory_space<hbm>> -> memref<1x128xf32, #tpu.memory_space<hbm>>
      %dma_wait3A_162 = tpu.memref_squeeze %dma_wait3A_161 : memref<1x128xf32, #tpu.memory_space<hbm>> -> memref<128xf32, #tpu.memory_space<hbm>>
      %dma_wait3A_163 = arith.constant 99968 : i32
      %dma_wait3A_164 = tpu.memref_slice %arg9[%dma_wait3A_163] : memref<100096xf32, #tpu.memory_space<vmem>> -> memref<128xf32, #tpu.memory_space<vmem>>
      %dma_wait3A_165 = arith.constant 0 : i32
      %dma_wait3A_166 = tpu.memref_slice %arg6[%add3A, %dma_wait3A_165] : memref<26x128xf32, #tpu.memory_space<hbm>> -> memref<1x128xf32, #tpu.memory_space<hbm>>
      %dma_wait3A_167 = tpu.memref_squeeze %dma_wait3A_166 : memref<1x128xf32, #tpu.memory_space<hbm>> -> memref<128xf32, #tpu.memory_space<hbm>>
      tpu.wait_dma2 semaphore(%arg12 : memref<!tpu.dma_semaphore, #tpu.memory_space<semaphore_mem>>) src(%dma_wait3A_167 : memref<128xf32, #tpu.memory_space<hbm>>) dst(%dma_wait3A_164 : memref<128xf32, #tpu.memory_space<vmem>>)
      %run_scoped3A = arith.constant 0 : i32
      "tpu.region"() ({
        %run_scoped3A_182 = tpu.sem_alloc : memref<!tpu.dma_semaphore, #tpu.memory_space<semaphore_mem>>
        %dma_start3A_183 = arith.constant 0 : i32
        %dma_start3A_184 = tpu.memref_slice %arg10[%run_scoped3A, %dma_start3A_183] : memref<2x4096xi32, #tpu.memory_space<vmem>> -> memref<1x4096xi32, #tpu.memory_space<vmem>>
        %dma_start3A_185 = tpu.memref_squeeze %dma_start3A_184 : memref<1x4096xi32, #tpu.memory_space<vmem>> -> memref<4096xi32, #tpu.memory_space<vmem>>
        %dma_start3A_186 = arith.constant 0 : i32
        %dma_start3A_187 = tpu.memref_slice %arg2[%add3A, %dma_start3A_186] : memref<26x16384xi32, #tpu.memory_space<hbm>> -> memref<1x4096xi32, #tpu.memory_space<hbm>>
        %dma_start3A_188 = tpu.memref_squeeze %dma_start3A_187 : memref<1x4096xi32, #tpu.memory_space<hbm>> -> memref<4096xi32, #tpu.memory_space<hbm>>
        %dma_start3A_189 = arith.constant 0 : i32
        %dma_start3A_190 = tpu.memref_slice %arg10[%run_scoped3A, %dma_start3A_189] : memref<2x4096xi32, #tpu.memory_space<vmem>> -> memref<1x4096xi32, #tpu.memory_space<vmem>>
        %dma_start3A_191 = tpu.memref_squeeze %dma_start3A_190 : memref<1x4096xi32, #tpu.memory_space<vmem>> -> memref<4096xi32, #tpu.memory_space<vmem>>
        %dma_start3A_192 = arith.constant 0 : i32
        %dma_start3A_193 = tpu.memref_slice %arg2[%add3A, %dma_start3A_192] : memref<26x16384xi32, #tpu.memory_space<hbm>> -> memref<1x4096xi32, #tpu.memory_space<hbm>>
        %dma_start3A_194 = tpu.memref_squeeze %dma_start3A_193 : memref<1x4096xi32, #tpu.memory_space<hbm>> -> memref<4096xi32, #tpu.memory_space<hbm>>
        tpu.enqueue_dma source(%dma_start3A_194 : memref<4096xi32, #tpu.memory_space<hbm>>) target(%dma_start3A_191 : memref<4096xi32, #tpu.memory_space<vmem>>) target_semaphore(%run_scoped3A_182 : memref<!tpu.dma_semaphore, #tpu.memory_space<semaphore_mem>>)
        %dma_wait3A_195 = arith.constant 0 : i32
        %dma_wait3A_196 = tpu.memref_slice %arg10[%run_scoped3A, %dma_wait3A_195] : memref<2x4096xi32, #tpu.memory_space<vmem>> -> memref<1x4096xi32, #tpu.memory_space<vmem>>
        %dma_wait3A_197 = tpu.memref_squeeze %dma_wait3A_196 : memref<1x4096xi32, #tpu.memory_space<vmem>> -> memref<4096xi32, #tpu.memory_space<vmem>>
        %dma_wait3A_198 = arith.constant 0 : i32
        %dma_wait3A_199 = tpu.memref_slice %arg2[%add3A, %dma_wait3A_198] : memref<26x16384xi32, #tpu.memory_space<hbm>> -> memref<1x4096xi32, #tpu.memory_space<hbm>>
        %dma_wait3A_200 = tpu.memref_squeeze %dma_wait3A_199 : memref<1x4096xi32, #tpu.memory_space<hbm>> -> memref<4096xi32, #tpu.memory_space<hbm>>
        %dma_wait3A_201 = arith.constant 0 : i32
        %dma_wait3A_202 = tpu.memref_slice %arg10[%run_scoped3A, %dma_wait3A_201] : memref<2x4096xi32, #tpu.memory_space<vmem>> -> memref<1x4096xi32, #tpu.memory_space<vmem>>
        %dma_wait3A_203 = tpu.memref_squeeze %dma_wait3A_202 : memref<1x4096xi32, #tpu.memory_space<vmem>> -> memref<4096xi32, #tpu.memory_space<vmem>>
        %dma_wait3A_204 = arith.constant 0 : i32
        %dma_wait3A_205 = tpu.memref_slice %arg2[%add3A, %dma_wait3A_204] : memref<26x16384xi32, #tpu.memory_space<hbm>> -> memref<1x4096xi32, #tpu.memory_space<hbm>>
        %dma_wait3A_206 = tpu.memref_squeeze %dma_wait3A_205 : memref<1x4096xi32, #tpu.memory_space<hbm>> -> memref<4096xi32, #tpu.memory_space<hbm>>
        tpu.wait_dma2 semaphore(%run_scoped3A_182 : memref<!tpu.dma_semaphore, #tpu.memory_space<semaphore_mem>>) src(%dma_wait3A_206 : memref<4096xi32, #tpu.memory_space<hbm>>) dst(%dma_wait3A_203 : memref<4096xi32, #tpu.memory_space<vmem>>)
        tpu.yield
      }) : () -> ()
      %parallel_loop3A = arith.constant 0 : i32
      %parallel_loop3A_168 = arith.constant 256 : i32
      %parallel_loop3A_169 = arith.constant 1 : i32
      scf.for %parallel_loop3A_182 = %parallel_loop3A to %parallel_loop3A_168 step %parallel_loop3A_169  : i32 {
        %parallel_loop3A_183 = arith.constant 16 : i32
        %parallel_loop3A_184 = arith.muli %parallel_loop3A_182, %parallel_loop3A_183 : i32
        %parallel_loop3A_185 = arith.constant 0 : i32
        %parallel_loop3A_186 = arith.index_cast %parallel_loop3A_185 : i32 to index
        %parallel_loop3A_187 = arith.index_cast %parallel_loop3A_184 : i32 to index
        %parallel_loop3A_188 = tpu.vector_load %arg10[%parallel_loop3A_186, %parallel_loop3A_187] {strides = array<i32>} : memref<2x4096xi32, #tpu.memory_space<vmem>>, vector<16xi32>,
        %parallel_loop3A_189 = tpu.vector_load_idx %arg9[%parallel_loop3A_188] : memref<100096xf32, #tpu.memory_space<vmem>>[vector<16xi32>], vector<16xf32>,
        %parallel_loop3A_190 = arith.constant 16 : i32
        %parallel_loop3A_191 = arith.muli %parallel_loop3A_182, %parallel_loop3A_190 : i32
        %parallel_loop3A_192 = arith.constant 0 : i32
        %parallel_loop3A_193 = arith.addi %parallel_loop3A_192, %parallel_loop3A_191 : i32
        %parallel_loop3A_194 = arith.index_cast %parallel_loop3A_193 : i32 to index
        %parallel_loop3A_195 = tpu.vector_load %arg11[%parallel_loop3A_194] {strides = array<i32>} : memref<16384xf32, #tpu.memory_space<vmem>>, vector<16xf32>,
        tpu.vector_store %arg11[%parallel_loop3A_194], %parallel_loop3A_189 {strides = array<i32>} : memref<16384xf32, #tpu.memory_space<vmem>>, vector<16xf32>,
      } {sc.loop_unroll_factor = 8 : i64, sc.parallel_access}
      "tpu.region"() ({
        %run_scoped3A_182 = tpu.sem_alloc : memref<!tpu.dma_semaphore, #tpu.memory_space<semaphore_mem>>
        %dma_start3A_183 = arith.constant 0 : i32
        %dma_start3A_184 = tpu.memref_slice %arg11[%dma_start3A_183] : memref<16384xf32, #tpu.memory_space<vmem>> -> memref<4096xf32, #tpu.memory_space<vmem>>
        %dma_start3A_185 = arith.constant 0 : i32
        %dma_start3A_186 = tpu.memref_slice %arg8[%add3A, %dma_start3A_185] : memref<26x16384xf32, #tpu.memory_space<hbm>> -> memref<1x4096xf32, #tpu.memory_space<hbm>>
        %dma_start3A_187 = tpu.memref_squeeze %dma_start3A_186 : memref<1x4096xf32, #tpu.memory_space<hbm>> -> memref<4096xf32, #tpu.memory_space<hbm>>
        %dma_start3A_188 = arith.constant 0 : i32
        %dma_start3A_189 = tpu.memref_slice %arg8[%add3A, %dma_start3A_188] : memref<26x16384xf32, #tpu.memory_space<hbm>> -> memref<1x4096xf32, #tpu.memory_space<hbm>>
        %dma_start3A_190 = tpu.memref_squeeze %dma_start3A_189 : memref<1x4096xf32, #tpu.memory_space<hbm>> -> memref<4096xf32, #tpu.memory_space<hbm>>
        %dma_start3A_191 = arith.constant 0 : i32
        %dma_start3A_192 = tpu.memref_slice %arg11[%dma_start3A_191] : memref<16384xf32, #tpu.memory_space<vmem>> -> memref<4096xf32, #tpu.memory_space<vmem>>
        tpu.enqueue_dma source(%dma_start3A_192 : memref<4096xf32, #tpu.memory_space<vmem>>) target(%dma_start3A_190 : memref<4096xf32, #tpu.memory_space<hbm>>) target_semaphore(%run_scoped3A_182 : memref<!tpu.dma_semaphore, #tpu.memory_space<semaphore_mem>>)
        %dma_wait3A_193 = arith.constant 0 : i32
        %dma_wait3A_194 = tpu.memref_slice %arg11[%dma_wait3A_193] : memref<16384xf32, #tpu.memory_space<vmem>> -> memref<4096xf32, #tpu.memory_space<vmem>>
        %dma_wait3A_195 = arith.constant 0 : i32
        %dma_wait3A_196 = tpu.memref_slice %arg8[%add3A, %dma_wait3A_195] : memref<26x16384xf32, #tpu.memory_space<hbm>> -> memref<1x4096xf32, #tpu.memory_space<hbm>>
        %dma_wait3A_197 = tpu.memref_squeeze %dma_wait3A_196 : memref<1x4096xf32, #tpu.memory_space<hbm>> -> memref<4096xf32, #tpu.memory_space<hbm>>
        %dma_wait3A_198 = arith.constant 0 : i32
        %dma_wait3A_199 = tpu.memref_slice %arg8[%add3A, %dma_wait3A_198] : memref<26x16384xf32, #tpu.memory_space<hbm>> -> memref<1x4096xf32, #tpu.memory_space<hbm>>
        %dma_wait3A_200 = tpu.memref_squeeze %dma_wait3A_199 : memref<1x4096xf32, #tpu.memory_space<hbm>> -> memref<4096xf32, #tpu.memory_space<hbm>>
        %dma_wait3A_201 = arith.constant 0 : i32
        %dma_wait3A_202 = tpu.memref_slice %arg11[%dma_wait3A_201] : memref<16384xf32, #tpu.memory_space<vmem>> -> memref<4096xf32, #tpu.memory_space<vmem>>
        tpu.wait_dma2 semaphore(%run_scoped3A_182 : memref<!tpu.dma_semaphore, #tpu.memory_space<semaphore_mem>>) src(%dma_wait3A_202 : memref<4096xf32, #tpu.memory_space<vmem>>) dst(%dma_wait3A_200 : memref<4096xf32, #tpu.memory_space<hbm>>)
        tpu.yield
      }) : () -> ()
      %run_scoped3A_170 = arith.constant 0 : i32
      "tpu.region"() ({
        %run_scoped3A_182 = tpu.sem_alloc : memref<!tpu.dma_semaphore, #tpu.memory_space<semaphore_mem>>
        %dma_start3A_183 = arith.constant 0 : i32
        %dma_start3A_184 = tpu.memref_slice %arg10[%run_scoped3A_170, %dma_start3A_183] : memref<2x4096xi32, #tpu.memory_space<vmem>> -> memref<1x4096xi32, #tpu.memory_space<vmem>>
        %dma_start3A_185 = tpu.memref_squeeze %dma_start3A_184 : memref<1x4096xi32, #tpu.memory_space<vmem>> -> memref<4096xi32, #tpu.memory_space<vmem>>
        %dma_start3A_186 = arith.constant 4096 : i32
        %dma_start3A_187 = tpu.memref_slice %arg2[%add3A, %dma_start3A_186] : memref<26x16384xi32, #tpu.memory_space<hbm>> -> memref<1x4096xi32, #tpu.memory_space<hbm>>
        %dma_start3A_188 = tpu.memref_squeeze %dma_start3A_187 : memref<1x4096xi32, #tpu.memory_space<hbm>> -> memref<4096xi32, #tpu.memory_space<hbm>>
        %dma_start3A_189 = arith.constant 0 : i32
        %dma_start3A_190 = tpu.memref_slice %arg10[%run_scoped3A_170, %dma_start3A_189] : memref<2x4096xi32, #tpu.memory_space<vmem>> -> memref<1x4096xi32, #tpu.memory_space<vmem>>
        %dma_start3A_191 = tpu.memref_squeeze %dma_start3A_190 : memref<1x4096xi32, #tpu.memory_space<vmem>> -> memref<4096xi32, #tpu.memory_space<vmem>>
        %dma_start3A_192 = arith.constant 4096 : i32
        %dma_start3A_193 = tpu.memref_slice %arg2[%add3A, %dma_start3A_192] : memref<26x16384xi32, #tpu.memory_space<hbm>> -> memref<1x4096xi32, #tpu.memory_space<hbm>>
        %dma_start3A_194 = tpu.memref_squeeze %dma_start3A_193 : memref<1x4096xi32, #tpu.memory_space<hbm>> -> memref<4096xi32, #tpu.memory_space<hbm>>
        tpu.enqueue_dma source(%dma_start3A_194 : memref<4096xi32, #tpu.memory_space<hbm>>) target(%dma_start3A_191 : memref<4096xi32, #tpu.memory_space<vmem>>) target_semaphore(%run_scoped3A_182 : memref<!tpu.dma_semaphore, #tpu.memory_space<semaphore_mem>>)
        %dma_wait3A_195 = arith.constant 0 : i32
        %dma_wait3A_196 = tpu.memref_slice %arg10[%run_scoped3A_170, %dma_wait3A_195] : memref<2x4096xi32, #tpu.memory_space<vmem>> -> memref<1x4096xi32, #tpu.memory_space<vmem>>
        %dma_wait3A_197 = tpu.memref_squeeze %dma_wait3A_196 : memref<1x4096xi32, #tpu.memory_space<vmem>> -> memref<4096xi32, #tpu.memory_space<vmem>>
        %dma_wait3A_198 = arith.constant 4096 : i32
        %dma_wait3A_199 = tpu.memref_slice %arg2[%add3A, %dma_wait3A_198] : memref<26x16384xi32, #tpu.memory_space<hbm>> -> memref<1x4096xi32, #tpu.memory_space<hbm>>
        %dma_wait3A_200 = tpu.memref_squeeze %dma_wait3A_199 : memref<1x4096xi32, #tpu.memory_space<hbm>> -> memref<4096xi32, #tpu.memory_space<hbm>>
        %dma_wait3A_201 = arith.constant 0 : i32
        %dma_wait3A_202 = tpu.memref_slice %arg10[%run_scoped3A_170, %dma_wait3A_201] : memref<2x4096xi32, #tpu.memory_space<vmem>> -> memref<1x4096xi32, #tpu.memory_space<vmem>>
        %dma_wait3A_203 = tpu.memref_squeeze %dma_wait3A_202 : memref<1x4096xi32, #tpu.memory_space<vmem>> -> memref<4096xi32, #tpu.memory_space<vmem>>
        %dma_wait3A_204 = arith.constant 4096 : i32
        %dma_wait3A_205 = tpu.memref_slice %arg2[%add3A, %dma_wait3A_204] : memref<26x16384xi32, #tpu.memory_space<hbm>> -> memref<1x4096xi32, #tpu.memory_space<hbm>>
        %dma_wait3A_206 = tpu.memref_squeeze %dma_wait3A_205 : memref<1x4096xi32, #tpu.memory_space<hbm>> -> memref<4096xi32, #tpu.memory_space<hbm>>
        tpu.wait_dma2 semaphore(%run_scoped3A_182 : memref<!tpu.dma_semaphore, #tpu.memory_space<semaphore_mem>>) src(%dma_wait3A_206 : memref<4096xi32, #tpu.memory_space<hbm>>) dst(%dma_wait3A_203 : memref<4096xi32, #tpu.memory_space<vmem>>)
        tpu.yield
      }) : () -> ()
      %parallel_loop3A_171 = arith.constant 0 : i32
      %parallel_loop3A_172 = arith.constant 256 : i32
      %parallel_loop3A_173 = arith.constant 1 : i32
      scf.for %parallel_loop3A_182 = %parallel_loop3A_171 to %parallel_loop3A_172 step %parallel_loop3A_173  : i32 {
        %parallel_loop3A_183 = arith.constant 16 : i32
        %parallel_loop3A_184 = arith.muli %parallel_loop3A_182, %parallel_loop3A_183 : i32
        %parallel_loop3A_185 = arith.constant 0 : i32
        %parallel_loop3A_186 = arith.index_cast %parallel_loop3A_185 : i32 to index
        %parallel_loop3A_187 = arith.index_cast %parallel_loop3A_184 : i32 to index
        %parallel_loop3A_188 = tpu.vector_load %arg10[%parallel_loop3A_186, %parallel_loop3A_187] {strides = array<i32>} : memref<2x4096xi32, #tpu.memory_space<vmem>>, vector<16xi32>,
        %parallel_loop3A_189 = tpu.vector_load_idx %arg9[%parallel_loop3A_188] : memref<100096xf32, #tpu.memory_space<vmem>>[vector<16xi32>], vector<16xf32>,
        %parallel_loop3A_190 = arith.constant 16 : i32
        %parallel_loop3A_191 = arith.muli %parallel_loop3A_182, %parallel_loop3A_190 : i32
        %parallel_loop3A_192 = arith.constant 4096 : i32
        %parallel_loop3A_193 = arith.addi %parallel_loop3A_192, %parallel_loop3A_191 : i32
        %parallel_loop3A_194 = arith.index_cast %parallel_loop3A_193 : i32 to index
        %parallel_loop3A_195 = tpu.vector_load %arg11[%parallel_loop3A_194] {strides = array<i32>} : memref<16384xf32, #tpu.memory_space<vmem>>, vector<16xf32>,
        tpu.vector_store %arg11[%parallel_loop3A_194], %parallel_loop3A_189 {strides = array<i32>} : memref<16384xf32, #tpu.memory_space<vmem>>, vector<16xf32>,
      } {sc.loop_unroll_factor = 8 : i64, sc.parallel_access}
      "tpu.region"() ({
        %run_scoped3A_182 = tpu.sem_alloc : memref<!tpu.dma_semaphore, #tpu.memory_space<semaphore_mem>>
        %dma_start3A_183 = arith.constant 4096 : i32
        %dma_start3A_184 = tpu.memref_slice %arg11[%dma_start3A_183] : memref<16384xf32, #tpu.memory_space<vmem>> -> memref<4096xf32, #tpu.memory_space<vmem>>
        %dma_start3A_185 = arith.constant 4096 : i32
        %dma_start3A_186 = tpu.memref_slice %arg8[%add3A, %dma_start3A_185] : memref<26x16384xf32, #tpu.memory_space<hbm>> -> memref<1x4096xf32, #tpu.memory_space<hbm>>
        %dma_start3A_187 = tpu.memref_squeeze %dma_start3A_186 : memref<1x4096xf32, #tpu.memory_space<hbm>> -> memref<4096xf32, #tpu.memory_space<hbm>>
        %dma_start3A_188 = arith.constant 4096 : i32
        %dma_start3A_189 = tpu.memref_slice %arg8[%add3A, %dma_start3A_188] : memref<26x16384xf32, #tpu.memory_space<hbm>> -> memref<1x4096xf32, #tpu.memory_space<hbm>>
        %dma_start3A_190 = tpu.memref_squeeze %dma_start3A_189 : memref<1x4096xf32, #tpu.memory_space<hbm>> -> memref<4096xf32, #tpu.memory_space<hbm>>
        %dma_start3A_191 = arith.constant 4096 : i32
        %dma_start3A_192 = tpu.memref_slice %arg11[%dma_start3A_191] : memref<16384xf32, #tpu.memory_space<vmem>> -> memref<4096xf32, #tpu.memory_space<vmem>>
        tpu.enqueue_dma source(%dma_start3A_192 : memref<4096xf32, #tpu.memory_space<vmem>>) target(%dma_start3A_190 : memref<4096xf32, #tpu.memory_space<hbm>>) target_semaphore(%run_scoped3A_182 : memref<!tpu.dma_semaphore, #tpu.memory_space<semaphore_mem>>)
        %dma_wait3A_193 = arith.constant 4096 : i32
        %dma_wait3A_194 = tpu.memref_slice %arg11[%dma_wait3A_193] : memref<16384xf32, #tpu.memory_space<vmem>> -> memref<4096xf32, #tpu.memory_space<vmem>>
        %dma_wait3A_195 = arith.constant 4096 : i32
        %dma_wait3A_196 = tpu.memref_slice %arg8[%add3A, %dma_wait3A_195] : memref<26x16384xf32, #tpu.memory_space<hbm>> -> memref<1x4096xf32, #tpu.memory_space<hbm>>
        %dma_wait3A_197 = tpu.memref_squeeze %dma_wait3A_196 : memref<1x4096xf32, #tpu.memory_space<hbm>> -> memref<4096xf32, #tpu.memory_space<hbm>>
        %dma_wait3A_198 = arith.constant 4096 : i32
        %dma_wait3A_199 = tpu.memref_slice %arg8[%add3A, %dma_wait3A_198] : memref<26x16384xf32, #tpu.memory_space<hbm>> -> memref<1x4096xf32, #tpu.memory_space<hbm>>
        %dma_wait3A_200 = tpu.memref_squeeze %dma_wait3A_199 : memref<1x4096xf32, #tpu.memory_space<hbm>> -> memref<4096xf32, #tpu.memory_space<hbm>>
        %dma_wait3A_201 = arith.constant 4096 : i32
        %dma_wait3A_202 = tpu.memref_slice %arg11[%dma_wait3A_201] : memref<16384xf32, #tpu.memory_space<vmem>> -> memref<4096xf32, #tpu.memory_space<vmem>>
        tpu.wait_dma2 semaphore(%run_scoped3A_182 : memref<!tpu.dma_semaphore, #tpu.memory_space<semaphore_mem>>) src(%dma_wait3A_202 : memref<4096xf32, #tpu.memory_space<vmem>>) dst(%dma_wait3A_200 : memref<4096xf32, #tpu.memory_space<hbm>>)
        tpu.yield
      }) : () -> ()
      %run_scoped3A_174 = arith.constant 0 : i32
      "tpu.region"() ({
        %run_scoped3A_182 = tpu.sem_alloc : memref<!tpu.dma_semaphore, #tpu.memory_space<semaphore_mem>>
        %dma_start3A_183 = arith.constant 0 : i32
        %dma_start3A_184 = tpu.memref_slice %arg10[%run_scoped3A_174, %dma_start3A_183] : memref<2x4096xi32, #tpu.memory_space<vmem>> -> memref<1x4096xi32, #tpu.memory_space<vmem>>
        %dma_start3A_185 = tpu.memref_squeeze %dma_start3A_184 : memref<1x4096xi32, #tpu.memory_space<vmem>> -> memref<4096xi32, #tpu.memory_space<vmem>>
        %dma_start3A_186 = arith.constant 8192 : i32
        %dma_start3A_187 = tpu.memref_slice %arg2[%add3A, %dma_start3A_186] : memref<26x16384xi32, #tpu.memory_space<hbm>> -> memref<1x4096xi32, #tpu.memory_space<hbm>>
        %dma_start3A_188 = tpu.memref_squeeze %dma_start3A_187 : memref<1x4096xi32, #tpu.memory_space<hbm>> -> memref<4096xi32, #tpu.memory_space<hbm>>
        %dma_start3A_189 = arith.constant 0 : i32
        %dma_start3A_190 = tpu.memref_slice %arg10[%run_scoped3A_174, %dma_start3A_189] : memref<2x4096xi32, #tpu.memory_space<vmem>> -> memref<1x4096xi32, #tpu.memory_space<vmem>>
        %dma_start3A_191 = tpu.memref_squeeze %dma_start3A_190 : memref<1x4096xi32, #tpu.memory_space<vmem>> -> memref<4096xi32, #tpu.memory_space<vmem>>
        %dma_start3A_192 = arith.constant 8192 : i32
        %dma_start3A_193 = tpu.memref_slice %arg2[%add3A, %dma_start3A_192] : memref<26x16384xi32, #tpu.memory_space<hbm>> -> memref<1x4096xi32, #tpu.memory_space<hbm>>
        %dma_start3A_194 = tpu.memref_squeeze %dma_start3A_193 : memref<1x4096xi32, #tpu.memory_space<hbm>> -> memref<4096xi32, #tpu.memory_space<hbm>>
        tpu.enqueue_dma source(%dma_start3A_194 : memref<4096xi32, #tpu.memory_space<hbm>>) target(%dma_start3A_191 : memref<4096xi32, #tpu.memory_space<vmem>>) target_semaphore(%run_scoped3A_182 : memref<!tpu.dma_semaphore, #tpu.memory_space<semaphore_mem>>)
        %dma_wait3A_195 = arith.constant 0 : i32
        %dma_wait3A_196 = tpu.memref_slice %arg10[%run_scoped3A_174, %dma_wait3A_195] : memref<2x4096xi32, #tpu.memory_space<vmem>> -> memref<1x4096xi32, #tpu.memory_space<vmem>>
        %dma_wait3A_197 = tpu.memref_squeeze %dma_wait3A_196 : memref<1x4096xi32, #tpu.memory_space<vmem>> -> memref<4096xi32, #tpu.memory_space<vmem>>
        %dma_wait3A_198 = arith.constant 8192 : i32
        %dma_wait3A_199 = tpu.memref_slice %arg2[%add3A, %dma_wait3A_198] : memref<26x16384xi32, #tpu.memory_space<hbm>> -> memref<1x4096xi32, #tpu.memory_space<hbm>>
        %dma_wait3A_200 = tpu.memref_squeeze %dma_wait3A_199 : memref<1x4096xi32, #tpu.memory_space<hbm>> -> memref<4096xi32, #tpu.memory_space<hbm>>
        %dma_wait3A_201 = arith.constant 0 : i32
        %dma_wait3A_202 = tpu.memref_slice %arg10[%run_scoped3A_174, %dma_wait3A_201] : memref<2x4096xi32, #tpu.memory_space<vmem>> -> memref<1x4096xi32, #tpu.memory_space<vmem>>
        %dma_wait3A_203 = tpu.memref_squeeze %dma_wait3A_202 : memref<1x4096xi32, #tpu.memory_space<vmem>> -> memref<4096xi32, #tpu.memory_space<vmem>>
        %dma_wait3A_204 = arith.constant 8192 : i32
        %dma_wait3A_205 = tpu.memref_slice %arg2[%add3A, %dma_wait3A_204] : memref<26x16384xi32, #tpu.memory_space<hbm>> -> memref<1x4096xi32, #tpu.memory_space<hbm>>
        %dma_wait3A_206 = tpu.memref_squeeze %dma_wait3A_205 : memref<1x4096xi32, #tpu.memory_space<hbm>> -> memref<4096xi32, #tpu.memory_space<hbm>>
        tpu.wait_dma2 semaphore(%run_scoped3A_182 : memref<!tpu.dma_semaphore, #tpu.memory_space<semaphore_mem>>) src(%dma_wait3A_206 : memref<4096xi32, #tpu.memory_space<hbm>>) dst(%dma_wait3A_203 : memref<4096xi32, #tpu.memory_space<vmem>>)
        tpu.yield
      }) : () -> ()
      %parallel_loop3A_175 = arith.constant 0 : i32
      %parallel_loop3A_176 = arith.constant 256 : i32
      %parallel_loop3A_177 = arith.constant 1 : i32
      scf.for %parallel_loop3A_182 = %parallel_loop3A_175 to %parallel_loop3A_176 step %parallel_loop3A_177  : i32 {
        %parallel_loop3A_183 = arith.constant 16 : i32
        %parallel_loop3A_184 = arith.muli %parallel_loop3A_182, %parallel_loop3A_183 : i32
        %parallel_loop3A_185 = arith.constant 0 : i32
        %parallel_loop3A_186 = arith.index_cast %parallel_loop3A_185 : i32 to index
        %parallel_loop3A_187 = arith.index_cast %parallel_loop3A_184 : i32 to index
        %parallel_loop3A_188 = tpu.vector_load %arg10[%parallel_loop3A_186, %parallel_loop3A_187] {strides = array<i32>} : memref<2x4096xi32, #tpu.memory_space<vmem>>, vector<16xi32>,
        %parallel_loop3A_189 = tpu.vector_load_idx %arg9[%parallel_loop3A_188] : memref<100096xf32, #tpu.memory_space<vmem>>[vector<16xi32>], vector<16xf32>,
        %parallel_loop3A_190 = arith.constant 16 : i32
        %parallel_loop3A_191 = arith.muli %parallel_loop3A_182, %parallel_loop3A_190 : i32
        %parallel_loop3A_192 = arith.constant 8192 : i32
        %parallel_loop3A_193 = arith.addi %parallel_loop3A_192, %parallel_loop3A_191 : i32
        %parallel_loop3A_194 = arith.index_cast %parallel_loop3A_193 : i32 to index
        %parallel_loop3A_195 = tpu.vector_load %arg11[%parallel_loop3A_194] {strides = array<i32>} : memref<16384xf32, #tpu.memory_space<vmem>>, vector<16xf32>,
        tpu.vector_store %arg11[%parallel_loop3A_194], %parallel_loop3A_189 {strides = array<i32>} : memref<16384xf32, #tpu.memory_space<vmem>>, vector<16xf32>,
      } {sc.loop_unroll_factor = 8 : i64, sc.parallel_access}
      "tpu.region"() ({
        %run_scoped3A_182 = tpu.sem_alloc : memref<!tpu.dma_semaphore, #tpu.memory_space<semaphore_mem>>
        %dma_start3A_183 = arith.constant 8192 : i32
        %dma_start3A_184 = tpu.memref_slice %arg11[%dma_start3A_183] : memref<16384xf32, #tpu.memory_space<vmem>> -> memref<4096xf32, #tpu.memory_space<vmem>>
        %dma_start3A_185 = arith.constant 8192 : i32
        %dma_start3A_186 = tpu.memref_slice %arg8[%add3A, %dma_start3A_185] : memref<26x16384xf32, #tpu.memory_space<hbm>> -> memref<1x4096xf32, #tpu.memory_space<hbm>>
        %dma_start3A_187 = tpu.memref_squeeze %dma_start3A_186 : memref<1x4096xf32, #tpu.memory_space<hbm>> -> memref<4096xf32, #tpu.memory_space<hbm>>
        %dma_start3A_188 = arith.constant 8192 : i32
        %dma_start3A_189 = tpu.memref_slice %arg8[%add3A, %dma_start3A_188] : memref<26x16384xf32, #tpu.memory_space<hbm>> -> memref<1x4096xf32, #tpu.memory_space<hbm>>
        %dma_start3A_190 = tpu.memref_squeeze %dma_start3A_189 : memref<1x4096xf32, #tpu.memory_space<hbm>> -> memref<4096xf32, #tpu.memory_space<hbm>>
        %dma_start3A_191 = arith.constant 8192 : i32
        %dma_start3A_192 = tpu.memref_slice %arg11[%dma_start3A_191] : memref<16384xf32, #tpu.memory_space<vmem>> -> memref<4096xf32, #tpu.memory_space<vmem>>
        tpu.enqueue_dma source(%dma_start3A_192 : memref<4096xf32, #tpu.memory_space<vmem>>) target(%dma_start3A_190 : memref<4096xf32, #tpu.memory_space<hbm>>) target_semaphore(%run_scoped3A_182 : memref<!tpu.dma_semaphore, #tpu.memory_space<semaphore_mem>>)
        %dma_wait3A_193 = arith.constant 8192 : i32
        %dma_wait3A_194 = tpu.memref_slice %arg11[%dma_wait3A_193] : memref<16384xf32, #tpu.memory_space<vmem>> -> memref<4096xf32, #tpu.memory_space<vmem>>
        %dma_wait3A_195 = arith.constant 8192 : i32
        %dma_wait3A_196 = tpu.memref_slice %arg8[%add3A, %dma_wait3A_195] : memref<26x16384xf32, #tpu.memory_space<hbm>> -> memref<1x4096xf32, #tpu.memory_space<hbm>>
        %dma_wait3A_197 = tpu.memref_squeeze %dma_wait3A_196 : memref<1x4096xf32, #tpu.memory_space<hbm>> -> memref<4096xf32, #tpu.memory_space<hbm>>
        %dma_wait3A_198 = arith.constant 8192 : i32
        %dma_wait3A_199 = tpu.memref_slice %arg8[%add3A, %dma_wait3A_198] : memref<26x16384xf32, #tpu.memory_space<hbm>> -> memref<1x4096xf32, #tpu.memory_space<hbm>>
        %dma_wait3A_200 = tpu.memref_squeeze %dma_wait3A_199 : memref<1x4096xf32, #tpu.memory_space<hbm>> -> memref<4096xf32, #tpu.memory_space<hbm>>
        %dma_wait3A_201 = arith.constant 8192 : i32
        %dma_wait3A_202 = tpu.memref_slice %arg11[%dma_wait3A_201] : memref<16384xf32, #tpu.memory_space<vmem>> -> memref<4096xf32, #tpu.memory_space<vmem>>
        tpu.wait_dma2 semaphore(%run_scoped3A_182 : memref<!tpu.dma_semaphore, #tpu.memory_space<semaphore_mem>>) src(%dma_wait3A_202 : memref<4096xf32, #tpu.memory_space<vmem>>) dst(%dma_wait3A_200 : memref<4096xf32, #tpu.memory_space<hbm>>)
        tpu.yield
      }) : () -> ()
      %run_scoped3A_178 = arith.constant 0 : i32
      "tpu.region"() ({
        %run_scoped3A_182 = tpu.sem_alloc : memref<!tpu.dma_semaphore, #tpu.memory_space<semaphore_mem>>
        %dma_start3A_183 = arith.constant 0 : i32
        %dma_start3A_184 = tpu.memref_slice %arg10[%run_scoped3A_178, %dma_start3A_183] : memref<2x4096xi32, #tpu.memory_space<vmem>> -> memref<1x4096xi32, #tpu.memory_space<vmem>>
        %dma_start3A_185 = tpu.memref_squeeze %dma_start3A_184 : memref<1x4096xi32, #tpu.memory_space<vmem>> -> memref<4096xi32, #tpu.memory_space<vmem>>
        %dma_start3A_186 = arith.constant 12288 : i32
        %dma_start3A_187 = tpu.memref_slice %arg2[%add3A, %dma_start3A_186] : memref<26x16384xi32, #tpu.memory_space<hbm>> -> memref<1x4096xi32, #tpu.memory_space<hbm>>
        %dma_start3A_188 = tpu.memref_squeeze %dma_start3A_187 : memref<1x4096xi32, #tpu.memory_space<hbm>> -> memref<4096xi32, #tpu.memory_space<hbm>>
        %dma_start3A_189 = arith.constant 0 : i32
        %dma_start3A_190 = tpu.memref_slice %arg10[%run_scoped3A_178, %dma_start3A_189] : memref<2x4096xi32, #tpu.memory_space<vmem>> -> memref<1x4096xi32, #tpu.memory_space<vmem>>
        %dma_start3A_191 = tpu.memref_squeeze %dma_start3A_190 : memref<1x4096xi32, #tpu.memory_space<vmem>> -> memref<4096xi32, #tpu.memory_space<vmem>>
        %dma_start3A_192 = arith.constant 12288 : i32
        %dma_start3A_193 = tpu.memref_slice %arg2[%add3A, %dma_start3A_192] : memref<26x16384xi32, #tpu.memory_space<hbm>> -> memref<1x4096xi32, #tpu.memory_space<hbm>>
        %dma_start3A_194 = tpu.memref_squeeze %dma_start3A_193 : memref<1x4096xi32, #tpu.memory_space<hbm>> -> memref<4096xi32, #tpu.memory_space<hbm>>
        tpu.enqueue_dma source(%dma_start3A_194 : memref<4096xi32, #tpu.memory_space<hbm>>) target(%dma_start3A_191 : memref<4096xi32, #tpu.memory_space<vmem>>) target_semaphore(%run_scoped3A_182 : memref<!tpu.dma_semaphore, #tpu.memory_space<semaphore_mem>>)
        %dma_wait3A_195 = arith.constant 0 : i32
        %dma_wait3A_196 = tpu.memref_slice %arg10[%run_scoped3A_178, %dma_wait3A_195] : memref<2x4096xi32, #tpu.memory_space<vmem>> -> memref<1x4096xi32, #tpu.memory_space<vmem>>
        %dma_wait3A_197 = tpu.memref_squeeze %dma_wait3A_196 : memref<1x4096xi32, #tpu.memory_space<vmem>> -> memref<4096xi32, #tpu.memory_space<vmem>>
        %dma_wait3A_198 = arith.constant 12288 : i32
        %dma_wait3A_199 = tpu.memref_slice %arg2[%add3A, %dma_wait3A_198] : memref<26x16384xi32, #tpu.memory_space<hbm>> -> memref<1x4096xi32, #tpu.memory_space<hbm>>
        %dma_wait3A_200 = tpu.memref_squeeze %dma_wait3A_199 : memref<1x4096xi32, #tpu.memory_space<hbm>> -> memref<4096xi32, #tpu.memory_space<hbm>>
        %dma_wait3A_201 = arith.constant 0 : i32
        %dma_wait3A_202 = tpu.memref_slice %arg10[%run_scoped3A_178, %dma_wait3A_201] : memref<2x4096xi32, #tpu.memory_space<vmem>> -> memref<1x4096xi32, #tpu.memory_space<vmem>>
        %dma_wait3A_203 = tpu.memref_squeeze %dma_wait3A_202 : memref<1x4096xi32, #tpu.memory_space<vmem>> -> memref<4096xi32, #tpu.memory_space<vmem>>
        %dma_wait3A_204 = arith.constant 12288 : i32
        %dma_wait3A_205 = tpu.memref_slice %arg2[%add3A, %dma_wait3A_204] : memref<26x16384xi32, #tpu.memory_space<hbm>> -> memref<1x4096xi32, #tpu.memory_space<hbm>>
        %dma_wait3A_206 = tpu.memref_squeeze %dma_wait3A_205 : memref<1x4096xi32, #tpu.memory_space<hbm>> -> memref<4096xi32, #tpu.memory_space<hbm>>
        tpu.wait_dma2 semaphore(%run_scoped3A_182 : memref<!tpu.dma_semaphore, #tpu.memory_space<semaphore_mem>>) src(%dma_wait3A_206 : memref<4096xi32, #tpu.memory_space<hbm>>) dst(%dma_wait3A_203 : memref<4096xi32, #tpu.memory_space<vmem>>)
        tpu.yield
      }) : () -> ()
      %parallel_loop3A_179 = arith.constant 0 : i32
      %parallel_loop3A_180 = arith.constant 256 : i32
      %parallel_loop3A_181 = arith.constant 1 : i32
      scf.for %parallel_loop3A_182 = %parallel_loop3A_179 to %parallel_loop3A_180 step %parallel_loop3A_181  : i32 {
        %parallel_loop3A_183 = arith.constant 16 : i32
        %parallel_loop3A_184 = arith.muli %parallel_loop3A_182, %parallel_loop3A_183 : i32
        %parallel_loop3A_185 = arith.constant 0 : i32
        %parallel_loop3A_186 = arith.index_cast %parallel_loop3A_185 : i32 to index
        %parallel_loop3A_187 = arith.index_cast %parallel_loop3A_184 : i32 to index
        %parallel_loop3A_188 = tpu.vector_load %arg10[%parallel_loop3A_186, %parallel_loop3A_187] {strides = array<i32>} : memref<2x4096xi32, #tpu.memory_space<vmem>>, vector<16xi32>,
        %parallel_loop3A_189 = tpu.vector_load_idx %arg9[%parallel_loop3A_188] : memref<100096xf32, #tpu.memory_space<vmem>>[vector<16xi32>], vector<16xf32>,
        %parallel_loop3A_190 = arith.constant 16 : i32
        %parallel_loop3A_191 = arith.muli %parallel_loop3A_182, %parallel_loop3A_190 : i32
        %parallel_loop3A_192 = arith.constant 12288 : i32
        %parallel_loop3A_193 = arith.addi %parallel_loop3A_192, %parallel_loop3A_191 : i32
        %parallel_loop3A_194 = arith.index_cast %parallel_loop3A_193 : i32 to index
        %parallel_loop3A_195 = tpu.vector_load %arg11[%parallel_loop3A_194] {strides = array<i32>} : memref<16384xf32, #tpu.memory_space<vmem>>, vector<16xf32>,
        tpu.vector_store %arg11[%parallel_loop3A_194], %parallel_loop3A_189 {strides = array<i32>} : memref<16384xf32, #tpu.memory_space<vmem>>, vector<16xf32>,
      } {sc.loop_unroll_factor = 8 : i64, sc.parallel_access}
      "tpu.region"() ({
        %run_scoped3A_182 = tpu.sem_alloc : memref<!tpu.dma_semaphore, #tpu.memory_space<semaphore_mem>>
        %dma_start3A_183 = arith.constant 12288 : i32
        %dma_start3A_184 = tpu.memref_slice %arg11[%dma_start3A_183] : memref<16384xf32, #tpu.memory_space<vmem>> -> memref<4096xf32, #tpu.memory_space<vmem>>
        %dma_start3A_185 = arith.constant 12288 : i32
        %dma_start3A_186 = tpu.memref_slice %arg8[%add3A, %dma_start3A_185] : memref<26x16384xf32, #tpu.memory_space<hbm>> -> memref<1x4096xf32, #tpu.memory_space<hbm>>
        %dma_start3A_187 = tpu.memref_squeeze %dma_start3A_186 : memref<1x4096xf32, #tpu.memory_space<hbm>> -> memref<4096xf32, #tpu.memory_space<hbm>>
        %dma_start3A_188 = arith.constant 12288 : i32
        %dma_start3A_189 = tpu.memref_slice %arg8[%add3A, %dma_start3A_188] : memref<26x16384xf32, #tpu.memory_space<hbm>> -> memref<1x4096xf32, #tpu.memory_space<hbm>>
        %dma_start3A_190 = tpu.memref_squeeze %dma_start3A_189 : memref<1x4096xf32, #tpu.memory_space<hbm>> -> memref<4096xf32, #tpu.memory_space<hbm>>
        %dma_start3A_191 = arith.constant 12288 : i32
        %dma_start3A_192 = tpu.memref_slice %arg11[%dma_start3A_191] : memref<16384xf32, #tpu.memory_space<vmem>> -> memref<4096xf32, #tpu.memory_space<vmem>>
        tpu.enqueue_dma source(%dma_start3A_192 : memref<4096xf32, #tpu.memory_space<vmem>>) target(%dma_start3A_190 : memref<4096xf32, #tpu.memory_space<hbm>>) target_semaphore(%run_scoped3A_182 : memref<!tpu.dma_semaphore, #tpu.memory_space<semaphore_mem>>)
        %dma_wait3A_193 = arith.constant 12288 : i32
        %dma_wait3A_194 = tpu.memref_slice %arg11[%dma_wait3A_193] : memref<16384xf32, #tpu.memory_space<vmem>> -> memref<4096xf32, #tpu.memory_space<vmem>>
        %dma_wait3A_195 = arith.constant 12288 : i32
        %dma_wait3A_196 = tpu.memref_slice %arg8[%add3A, %dma_wait3A_195] : memref<26x16384xf32, #tpu.memory_space<hbm>> -> memref<1x4096xf32, #tpu.memory_space<hbm>>
        %dma_wait3A_197 = tpu.memref_squeeze %dma_wait3A_196 : memref<1x4096xf32, #tpu.memory_space<hbm>> -> memref<4096xf32, #tpu.memory_space<hbm>>
        %dma_wait3A_198 = arith.constant 12288 : i32
        %dma_wait3A_199 = tpu.memref_slice %arg8[%add3A, %dma_wait3A_198] : memref<26x16384xf32, #tpu.memory_space<hbm>> -> memref<1x4096xf32, #tpu.memory_space<hbm>>
        %dma_wait3A_200 = tpu.memref_squeeze %dma_wait3A_199 : memref<1x4096xf32, #tpu.memory_space<hbm>> -> memref<4096xf32, #tpu.memory_space<hbm>>
        %dma_wait3A_201 = arith.constant 12288 : i32
        %dma_wait3A_202 = tpu.memref_slice %arg11[%dma_wait3A_201] : memref<16384xf32, #tpu.memory_space<vmem>> -> memref<4096xf32, #tpu.memory_space<vmem>>
        tpu.wait_dma2 semaphore(%run_scoped3A_182 : memref<!tpu.dma_semaphore, #tpu.memory_space<semaphore_mem>>) src(%dma_wait3A_202 : memref<4096xf32, #tpu.memory_space<vmem>>) dst(%dma_wait3A_200 : memref<4096xf32, #tpu.memory_space<hbm>>)
        tpu.yield
      }) : () -> ()
    } else {
    }
    return
  }
}

</mosaic_0001>

<sc_bundles>
// kernel: kernel.3.cloned.1.call-start
scs
__scs_entry_jumppad:
0x0: {  	(pc) =	sbr.rel $0x88, $3  }
0x1: {  	(tag) =	ssettag $0x0;
	lr =	simm.s32 $0x1  }
0x2: {  	[smem:$0x3F85] =	sst lr;
	_ =	strace $0xD0000000  }
0x3: {  	_ = 	snop  }
0x4: {  	_ = 	snop  }
0x5: {  	_ = 	snop  }
0x6: {  	_ = 	snop  }
0x7: {  	_ = 	snop  }
__scs_overlays_trampoline_lowered:
0x8: {  	[smem:$0x3F94] =	sst s0  }
0x9: {  	[smem:$0x3F95] =	sst s1  }
0xa: {  	[smem:$0x3F96] =	sst s2  }
0xb: {  	[smem:$0x3F97] =	sst s3  }
0xc: {  	[smem:$0x3F98] =	sst s4  }
0xd: {  	[smem:$0x3F99] =	sst s5  }
0xe: {  	[smem:$0x3F9A] =	sst s6  }
0xf: {  	[smem:$0x3F9B] =	sst s7  }
0x10: {  	[smem:$0x3F9C] =	sst s8  }
0x11: {  	[smem:$0x3F9D] =	sst s9;
	s0 =	simm.s32 @!p0 $0x0  }
0x12: {  	s1 =	sld [smem:$0x3F83];
	s0 =	simm.s32 @p0 $0x1  }
0x13: {  	[smem:$0x3F9E] =	sst s0;
	s0 =	simm.s32 @!p1 $0x0  }
0x14: {  	s2 =	sld [smem:$0x3F82];
	s0 =	simm.s32 @p1 $0x1  }
0x15: {  	[smem:$0x3F9F] =	sst s0;
	s0 =	simm.s32 @!p2 $0x0  }
0x16: {  	s3 =	sld [smem:$0x3FDB];
	s0 =	simm.s32 @p2 $0x1  }
0x17: {  	s4 =	simm.s32 $0x1BF5;
	[smem:$0x3FA1] =	sst s0  }
0x18: {  	s0 =	sld [smem:$0x3F84];
	_ =	swait.ge [sflag:s4], $0x0  }
0x19: {  	s7 =	sld [smem:$0x3F85]  }
0x1a: {  	s8 =	sadd.s32 $0xFFFFE003, lr  }
0x1b: {  	s9 =	sadd.s32 $0xFFFFFEF7, lr;
	s5 =	simm.s32 $0xFFFFFFFF;
	p2 =	slt.u32 s8, $0xFFFFF086  }
0x1c: {  	p1 =	slt.u32 s9, $0xF7A;
	s5 =	simm.s32 @!p2 $0x0  }
0x1d: {  	s5 =	simm.s32 @p1 $0x1;
	p0 =	seq.s32 s7, s2  }
0x1e: {  	s7 =	smul.u32 @!p0 $0xF7A, s2;
	p2 =	seq.s32 @!p0 s5, $0x0  }
0x1f: {  	s9 =	smul.u32 $0xF7A, s1;
	s8 =	simm.s32 @!p0 $0x1BF5;
	p2 =	por !p2, p0  }
0x20: {  	[sflag:s8] =	ssyncset.s32 @!p0 $0xFFFFF086;
	s6 =	sadd.s32 @!p0 s3, s7;
	s7 =	simm.s32 @!p0 $0x108  }
0x21: {  	s3 =	sadd.s32 s3, s9;
	s6 =	sadd.s32 @!p0 $0x88, s6;
	s7 =	simm.s32 @p2 $0x1082  }
0x22: {  	[simem:s7], [sflag:s8] =	dma.local @!p0 [hbm:s6], $0xF7A  }
0x23: {  	s9 =	sor.u32 $0xD0000000, s2;
	s6 =	simm.s32 $0x108;
	_ =	swait.ge @!p0 [sflag:s8], $0x0  }
0x24: {  	s3 =	sadd.s32 $0x88, s3;
	s6 =	simm.s32 @!p1 $0x1082;
	[sflag:s4] =	ssyncset.s32 $0xFFFFF086  }
0x25: {  	[simem:s6], [sflag:s4] =	dma.local [hbm:s3], $0xF7A  }
0x26: {  	[smem:$0x3F85] =	sst s1;
	(tag) =	ssettag s2;
	_ =	strace s9  }
0x27: {  	s1 =	sld [smem:$0x3F95]  }
0x28: {  	s2 =	sld [smem:$0x3F96]  }
0x29: {  	s4 =	sld [smem:$0x3F98]  }
0x2a: {  	p0 =	seq.s32 s5, $0x0;
	s5 =	sld [smem:$0x3F99]  }
0x2b: {  	s6 =	sld [smem:$0x3F9A]  }
0x2c: {  	s7 =	sld [smem:$0x3F9B]  }
0x2d: {  	s3 =	simm.s32 $0x108;
	s8 =	sld [smem:$0x3F9C]  }
0x2e: {  	s3 =	simm.s32 @!p0 $0x1082;
	s9 =	sld [smem:$0x3F9D]  }
0x2f: {  	lr =	sadd.s32 s0, s3;
	s0 =	sld [smem:$0x3F94]  }
0x30: {  	s3 =	sld [smem:$0x3F97]  }
0x31: {  	[smem:$0x3FA0] =	sst s10  }
0x32: {  	s10 =	sld [smem:$0x3F9E];
	_ =	sdelay $0x3  }
0x33: {  	p0 =	seq.s32 s10, $0x1;
	s10 =	sld [smem:$0x3FA0];
	_ =	sdelay $0x3  }
0x34: {  	[smem:$0x3FA0] =	sst s10  }
0x35: {  	s10 =	sld [smem:$0x3F9F];
	_ =	sdelay $0x3  }
0x36: {  	p1 =	seq.s32 s10, $0x1;
	s10 =	sld [smem:$0x3FA0];
	_ =	sdelay $0x3  }
0x37: {  	[smem:$0x3FA0] =	sst s10  }
0x38: {  	s10 =	sld [smem:$0x3FA1]  }
0x39: {  	_ = 	snop;
	(pc) =	sbr.ind lr, $3  }
0x3a: {  	_ = 	snop  }
0x3b: {  	_ = 	snop  }
0x3c: {  	p2 =	seq.s32 s10, $0x1;
	s10 =	sld [smem:$0x3FA0]  }
0x3d: {  	_ =	shalt  }
0x3e: {  	_ =	shalt  }
0x3f: {  	_ =	shalt  }
0x40: {  	_ =	shalt  }
0x41: {  	_ =	shalt  }
0x42: {  	_ =	shalt  }
0x43: {  	_ =	shalt  }
0x44: {  	_ =	shalt  }
0x45: {  	_ =	shalt  }
0x46: {  	_ =	shalt  }
0x47: {  	_ =	shalt  }
0x48: {  	_ =	shalt  }
0x49: {  	_ =	shalt  }
0x4a: {  	_ =	shalt  }
0x4b: {  	_ =	shalt  }
0x4c: {  	_ =	shalt  }
0x4d: {  	_ =	shalt  }
0x4e: {  	_ =	shalt  }
0x4f: {  	_ =	shalt  }
0x50: {  	_ =	shalt  }
0x51: {  	_ =	shalt  }
0x52: {  	_ =	shalt  }
0x53: {  	_ =	shalt  }
0x54: {  	_ =	shalt  }
0x55: {  	_ =	shalt  }
0x56: {  	_ =	shalt  }
0x57: {  	_ =	shalt  }
0x58: {  	_ =	shalt  }
0x59: {  	_ =	shalt  }
0x5a: {  	_ =	shalt  }
0x5b: {  	_ =	shalt  }
0x5c: {  	_ =	shalt  }
0x5d: {  	_ =	shalt  }
0x5e: {  	_ =	shalt  }
0x5f: {  	_ =	shalt  }
0x60: {  	_ =	shalt  }
0x61: {  	_ =	shalt  }
0x62: {  	_ =	shalt  }
0x63: {  	_ =	shalt  }
0x64: {  	_ =	shalt  }
0x65: {  	_ =	shalt  }
0x66: {  	_ =	shalt  }
0x67: {  	_ =	shalt  }
0x68: {  	_ =	shalt  }
0x69: {  	_ =	shalt  }
0x6a: {  	_ =	shalt  }
0x6b: {  	_ =	shalt  }
0x6c: {  	_ =	shalt  }
0x6d: {  	_ =	shalt  }
0x6e: {  	_ =	shalt  }
0x6f: {  	_ =	shalt  }
0x70: {  	_ =	shalt  }
0x71: {  	_ =	shalt  }
0x72: {  	_ =	shalt  }
0x73: {  	_ =	shalt  }
0x74: {  	_ =	shalt  }
0x75: {  	_ =	shalt  }
0x76: {  	_ =	shalt  }
0x77: {  	_ =	shalt  }
0x78: {  	_ =	shalt  }
0x79: {  	_ =	shalt  }
0x7a: {  	_ =	shalt  }
0x7b: {  	_ =	shalt  }
0x7c: {  	_ =	shalt  }
0x7d: {  	_ =	shalt  }
0x7e: {  	_ =	shalt  }
0x7f: {  	_ =	shalt  }
0x80: {  	_ =	shalt  }
0x81: {  	_ =	shalt  }
0x82: {  	_ =	shalt  }
0x83: {  	_ =	shalt  }
0x84: {  	_ =	shalt  }
0x85: {  	_ =	shalt  }
0x86: {  	_ =	shalt  }
0x87: {  	_ =	shalt  }
.Lfunc_end0:
.L_simem_size_0:
called_computation_lowered:
.L_overlay_start_0:
0x88: {  	s2 =	sld [smem:$0x3FD9]  }
0x89: {  	s3 =	sld [smem:$0x3FFE];
	_ =	sdelay $0x1  }
0x8a: {  	s1 =	srdreg.scid  }
0x8b: {  	s0 =	sand.u32 $0x1, s1  }
0x8c: {  	s14 =	sshll.u32 s0, $0xA;
	s2 =	sadd.s32 s3, s2  }
0x8d: {  	s2 =	sadd.s32 s2, s14  }
0x8e: {  	[smem:$0x3FAC] =	sst s2  }
0x8f: {  	_ = 	snop  }
0x90: {  	s2 =	sld [smem:$0x3FD0];
	_ =	sdelay $0x1  }
0x91: {  	s15 =	sld [smem:$0x3FAF]  }
0x92: {  	s5 =	simm.s32 $0xA;
	s6 =	simm.s32 $0x10;
	s4 =	sld [smem:$0x3FAE]  }
0x93: {  	[smem:s6], [sflag:s5] =	dma.local [hbm:s2], $0x1  }
0x94: {  	_ =	swait.eq [sflag:s5], $0x1  }
0x95: {  	[sflag:s5] =	ssyncset.done $0x0  }
0x96: {  	s16 =	sld [smem:$0x10];
	[sflag:s5] =	ssyncadd.s32 $0xFFFFFFFF  }
0x97: {  	s17 =	sld [smem:$0x11];
	(tm) =	ssettm $0x1  }
0x98: {  	s18 =	sld [smem:$0x3FFB];
	_ =	sdelay $0x3  }
0x99: {  	_ =	strace s18  }
0x9a: {  	s6 =	sld [smem:$0x3FFC];
	_ =	sdelay $0x3  }
0x9b: {  	_ =	strace s6  }
0x9c: {  	s6 =	sld [smem:$0x3FFD];
	_ =	sdelay $0x3  }
0x9d: {  	_ =	strace s6  }
0x9e: {  	_ =	strace $0x8FFFFFFF  }
0x9f: {  	s19 =	sld [smem:$0x3FDB];
	_ =	sdelay $0x1  }
0xa0: {  	s7 =	simm.s32 $_scs_section_size  }
0xa1: {  	s8 =	simm.s32 $_size__tile_overlayer_lowered;
	s9 =	simm.s32 $_tile_overlayer_lowered  }
0xa2: {  	s22 =	simm.s32 $0x1BFF;
	s21 =	sshll.u32 s9, $0x1;
	s6 =	sadd.s32 s7, s19  }
0xa3: {  	s10 =	simm.s32 $0x0;
	s20 =	sshll.u32 s8, $0x1;
	s8 =	sadd.s32 s21, s6  }
0xa4: {  	[timem:s10], [sflag:s22] =	dma.local [hbm:s8], s20  }
0xa5: {  	_ =	swait.ge [sflag:s22], s20  }
0xa6: {  	s7 =	ssub.s32 $0x0, s20;
	[sflag:s22] =	ssyncset.done $0x0  }
0xa7: {  	[sflag:s22] =	ssyncadd.s32 s7;
	_ =	sdelay $0x1  }
0xa8: {  	s23 =	simm.s32 $0x1B8B  }
0xa9: {  	_ =	swait.ge [sflag:s23], $0x1  }
0xaa: {  	[sflag:s23] =	ssyncset.done $0x0  }
0xab: {  	s25 =	simm.s32 $0x1B8E;
	s24 =	sld [smem:$0x3FFE];
	[sflag:s23] =	ssyncadd.s32 $0xFFFFFFFF  }
0xac: {  	s26 =	simm.s32 $execute0_lowered;
	[smem:$0x3FD2] =	sst s25  }
0xad: {  	s8 =	sshll.u32 s26, $0x1;
	_ =	strace $0x80000046;
	[dreg:$0x1] =	wrdreg $0xFFFFFFFF  }
0xae: {  	s28 =	simm.s32 $_size_execute0_lowered;
	s6 =	sadd.s32 s6, s8;
	[dreg:$0x0] =	wrdreg $0x0  }
0xaf: {  	s8 =	sshll.u32 s28, $0x1;
	[dreg:$0x2] =	wrdreg s6  }
0xb0: {  	[dreg:$0x3] =	wrdreg s8  }
0xb1: {  	[dreg:$0x4] =	wrdreg $0xC0  }
0xb2: {  	_ =	task [dreg:s10], $0x5FFFF  }
0xb3: {  	[dreg:$0x1] =	wrdreg $0xFFFFFFFF  }
0xb4: {  	[dreg:$0x0] =	wrdreg $0x60  }
0xb5: {  	[dreg:$0x2] =	wrdreg s24  }
0xb6: {  	[dreg:$0x3] =	wrdreg s15  }
0xb7: {  	[dreg:$0x4] =	wrdreg s4  }
0xb8: {  	[dreg:$0x5] =	wrdreg s17  }
0xb9: {  	[dreg:$0x6] =	wrdreg s16  }
0xba: {  	[dreg:$0x7] =	wrdreg $0x9  }
0xbb: {  	_ =	task.clear_ibuf [dreg:s10], $0x8FFFF;
	_ =	strace $0x90000046  }
0xbc: {  	s29 =	simm.s32 $0x9;
	_ =	strace $0x80000048  }
0xbd: {  	_ =	swait.ge [sflag:s29], $0x1  }
0xbe: {  	[sflag:s29] =	ssyncadd.s32 $0xFFFFFFFF  }
0xbf: {  	_ =	strace $0x90000048  }
0xc0: {  	_ =	sfence  }
0xc1: {  	s30 =	sld [smem:$0x0];
	_ =	sdelay $0x2  }
0xc2: {  	s31 =	sshll.u32 s1, $0xD;
	s1 =	sshrl.u32 s1, $0x2  }
0xc3: {  	s3 =	sand.u32 $0x4000, s31;
	s1 =	sadd.s32 s1, s30  }
0xc4: {  	s0 =	sor.u32 s3, s0;
	s1 =	sshll.u32 s1, $0x11  }
0xc5: {  	s0 =	sor.u32 s1, s0  }
0xc6: {  	s0 =	sadd.s32 $0x8F2B, s0  }
0xc7: {  	[sflag:s0] =	ssyncadd.remote.s32 $0x1  }
0xc8: {  	_ =	sfence.sel $0xFFFF  }
0xc9: {  	[dreg:$0x0] =	wrdreg $0xFFFFFFFF;
	(pc) =	sbr.abs _section_cstart, $3  }
0xca: {  	[dreg:$0x1] =	wrdreg $0xFFFFFFFF  }
0xcb: {  	_ =	task.clear_ibuf [dreg:s10], $0x2FFFF;
	_ =	strace $0x9FFFFFFF  }
0xcc: {  	(tm) =	ssettm $0x7FFFFFFF  }
0xcd: {  	_ =	shalt  }
tec
execute0_lowered:
.L_overlay_start_1:
0x0: {  	(tag) =	ssettag $0x1  }
0x1: {  	s1 =	rddreg [dreg:$0x0]  }
0x2: {  	s0 =	rddreg [dreg:$0x1]  }
0x3: {  	s2 =	rddreg [dreg:$0x2]  }
0x4: {  	s18 =	rddreg [dreg:$0x3]  }
0x5: {  	s3 =	srdreg.scid;
	s12 =	rddreg [dreg:$0x4]  }
0x6: {  	s6 =	stileid.u32;
	s5 =	simm.s32 $0x0;
	s3 =	sand.u32 $0x1, s3  }
0x7: {  	[smem:$0x7FF] =	sst s5;
	s7 =	sadd.s32 $0x3E00, s1;
	s11 =	sadd.s32 $0x6E00, s1  }
0x8: {  	s30 =	sadd.s32 $0x1000, s18;
	s31 =	sadd.s32 $0x2000, s18;
	s4 =	sshll.u32 s3, $0x4  }
0x9: {  	_ =	strace $0x80000047;
	s3 =	ssub.s32 $0x2, s3;
	s4 =	sor.u32 s6, s4  }
0xa: {  	s6 =	sshll.u32 s6, $0x7;
	s25 =	sshrl.u32 s3, $0x1;
	s13 =	sshrl.u32 s4, $0x3  }
0xb: {  	s6 =	sand.u32 $0x380, s6;
	s3 =	ssub.s32 s3, s25;
	p0 =	sgt.u32 s4, $0x19  }
0xc: {  	s8 =	sshll.u32 s13, $0xA;
	s10 =	smul.u32 $0xC3800, s13;
	s13 =	sshll.u32 s13, $0x11  }
0xd: {  	s28 =	sor.u32 $0x62000, s6;
	s29 =	sor.u32 $0x93000, s6;
	s8 =	sor.u32 s6, s8  }
0xe: {  	s13 =	sor.u32 s6, s13;
	s9 =	sshrl.u32 s8, $0x3;
	s8 =	sadd.s32 $0xA00, s1  }
0xf: {  	s15 =	sor.u32 s6, s10;
	s10 =	sadd.s32 $0x5E00, s1;
	s13 =	sshrl.u32 s13, $0x3  }
0x10: {  	s14 =	sadd.s32 s9, s1;
	s9 =	sadd.s32 $0x4E00, s1;
	s16 =	sshrl.u32 s15, $0x3  }
0x11: {  	s17 =	sadd.s32 $0x31000, s15;
	s21 =	sor.u32 $0x1000, s13;
	s22 =	sadd.s32 s12, s13  }
0x12: {  	s23 =	sor.u32 $0x2000, s13;
	s24 =	sor.u32 $0x3000, s13;
	s26 =	sadd.s32 s2, s16  }
0x13: {  	s16 =	sshrl.u32 s17, $0x3;
	s17 =	sadd.s32 $0x62000, s15;
	s15 =	sadd.s32 $0x93000, s15  }
0x14: {  	s20 =	sadd.s32 $0x800, s14;
	[dreg:$0xb] =	wrdreg s22;
	s25 =	sadd.s32 s12, s24  }
0x15: {  	s24 =	sadd.s32 s7, s24;
	s14 =	simm.s32 $0x0;
	[dreg:$0x6] =	wrdreg s26  }
0x16: {  	s1 =	sadd.s32 s2, s16;
	s19 =	sshrl.u32 s15, $0x3;
	[dreg:$0xa] =	wrdreg s20  }
0x17: {  	[dreg:$0xe] =	wrdreg s25;
	s26 =	smax.u32 s3, $0x1;
	s20 =	simm.s32 $0x2  }
0x18: {  	s3 =	simm.s32 $0x1D700;
	[dreg:$0x7] =	wrdreg s1;
	s1 =	sshrl.u32 s17, $0x3  }
0x19: {  	s17 =	sadd.s32 s7, s13;
	[dreg:$0xf] =	wrdreg s26;
	s1 =	sadd.s32 s2, s1  }
.Ltmp0:
0x1a: {  	s26 =	sor.u32 $0x31000, s6;
	[dreg:$0x8] =	wrdreg s1;
	(pc) =	sbr.rel .LBB2_1-.Ltmp0, $4  }
0x1b: {  	s1 =	sadd.s32 s2, s19;
	s19 =	sadd.s32 s7, s21;
	s2 =	simm.s32 $0x80  }
0x1c: {  	[dreg:$0x9] =	wrdreg s1;
	s1 =	sadd.s32 s12, s21;
	s21 =	sadd.s32 s7, s23  }
0x1d: {  	[dreg:$0xc] =	wrdreg s1;
	s1 =	sadd.s32 s12, s23;
	s12 =	simm.s32 $0x400  }
0x1e: {  	[dreg:$0xd] =	wrdreg s1;
	s1 =	sadd.s32 $0x3000, s18;
	s18 =	simm.s32 $0x1  }
.LBB2_39:
0x1f: {  	s14 =	sadd.s32 $0x1, s14;
	s13 =	rddreg [dreg:$0xf]  }
0x20: {  	p1 =	sne.s32 s14, s13  }
.Ltmp1:
0x21: {  	_ = 	snop;
	(pc) =	sbr.rel @!p1 .LBB2_40-.Ltmp1, $1  }
0x22: {  	_ =	sdelay $0x3  }
.LBB2_1:
0x23: {  	[dreg:$0x10] =	wrdreg s14  }
0x24: {  	s14 =	simm.s32 $0x18700;
	s13 =	sadd.s32 $0x0, s7;
	s15 =	simm.s32 $0x80  }
0x25: {  	[tilespmem:s14], [sflag:$0x2] =	stream.linear.gather [hbm4b:s13+s5], $0x80, $0x38;
	[tilespmem:$0x1E700] =	vst v63  }
.LBB2_2:
0x26: {  	p1 =	sne.s32 s15, $0xF80  }
.Ltmp2:
0x27: {  	_ = 	snop;
	(pc) =	sbr.rel @p1 .LBB2_2-.Ltmp2, $4  }
0x28: {  	_ = 	snop  }
0x29: {  	s16 =	sadd.s32 s15, s7;
	s14 =	sadd.s32 $0x100, s14  }
0x2a: {  	s13 =	simm.s32 $0x0;
	s15 =	sadd.s32 $0x80, s15  }
0x2b: {  	[tilespmem:s14], [sflag:$0x2] =	stream.linear.gather [hbm4b:s16+s13], $0x80, $0x38;
	[tilespmem:$0x1E700] =	vst v63  }
.Ltmp3:
0x2c: {  	_ = 	snop;
	(pc) =	sbr.rel .LBB2_3-.Ltmp3, $1  }
0x2d: {  	_ =	sdelay $0x3  }
.LBB2_18:
0x2e: {  	s13 =	sadd.s32 $0x1, s13  }
0x2f: {  	s14 =	sshll.u32 s13, $0x4  }
0x30: {  	s15 =	sshll.u32 s13, $0xB;
	s14 =	sand.u32 $0x70, s14  }
0x31: {  	s15 =	sand.u32 $0x1C000, s15;
	s14 =	sadd.s32 s7, s14  }
0x32: {  	s16 =	simm.s32 $0x80;
	s14 =	sadd.s32 s15, s14  }
0x33: {  	s22 =	simm.s32 $0x18800;
	s15 =	simm.s32 $0x18700;
	s23 =	sadd.s32 $0x0, s14  }
.LBB2_19:
0x34: {  	[tilespmem:s15], [sflag:$0x2] =	stream.linear.gather [hbm4b:s23+s5], $0x80, $0x38;
	[tilespmem:$0x1E700] =	vst v63  }
0x35: {  	s23 =	smov.u32 s16;
	s15 =	smov.u32 s22;
	p1 =	seq.s32 s16, $0xF80  }
.Ltmp4:
0x36: {  	s16 =	sadd.s32 $0x80, s16;
	(pc) =	sbr.rel @!p1 .LBB2_19-.Ltmp4, $2  }
0x37: {  	_ =	sdelay $0x2  }
0x38: {  	s22 =	sadd.s32 $0x100, s22;
	s23 =	sadd.s32 s23, s14  }
0x39: {  	[tilespmem:s15], [sflag:$0x2] =	stream.linear.gather [hbm4b:s23+s5], $0x80, $0x38;
	[tilespmem:$0x1E700] =	vst v63  }
.LBB2_3:
0x3a: {  	s14 =	sshll.u32 s13, $0x5  }
0x3b: {  	s14 =	sor.u32 s4, s14  }
0x3c: {  	s14 =	sshrl.u32 s14, $0x3  }
0x3d: {  	s15 =	smul.u32 $0xC3800, s14;
	_ =	sdelay $0x1  }
0x3e: {  	s16 =	sor.u32 s6, s15  }
0x3f: {  	s16 =	sshrl.u32 s16, $0x3  }
0x40: {  	s25 =	sadd.s32 s26, s15;
	s16 =	sadd.s32 s0, s16  }
0x41: {  	[tilespmem:s5], [sflag:$0x1] =	stream.strided.gather [hbm4b:s16+s2], $0x6200, s12, s2, $0x38;
	[tilespmem:$0x1E700] =	vst v63  }
0x42: {  	s16 =	sshrl.u32 s25, $0x3  }
0x43: {  	s22 =	simm.s32 $0x6200;
	s16 =	sadd.s32 s0, s16  }
0x44: {  	[tilespmem:s22], [sflag:$0x1] =	stream.strided.gather [hbm4b:s16+s2], $0x6200, s12, s2, $0x38;
	[tilespmem:$0x1E700] =	vst v63  }
0x45: {  	s22 =	sadd.s32 s28, s15  }
0x46: {  	s15 =	sadd.s32 s29, s15;
	s16 =	sshrl.u32 s22, $0x3  }
0x47: {  	s23 =	simm.s32 $0xC400;
	s15 =	sshrl.u32 s15, $0x3;
	s16 =	sadd.s32 s0, s16  }
0x48: {  	[tilespmem:s23], [sflag:$0x1] =	stream.strided.gather [hbm4b:s16+s2], $0x6200, s12, s2, $0x38;
	[tilespmem:$0x1E700] =	vst v63  }
0x49: {  	s25 =	simm.s32 $0x12600;
	s15 =	sadd.s32 s0, s15;
	s16 =	sshll.u32 s14, $0xA  }
0x4a: {  	[tilespmem:s25], [sflag:$0x1] =	stream.strided.gather [hbm4b:s15+s2], $0x6080, s12, s2, $0x38;
	[tilespmem:$0x1E700] =	vst v63  }
0x4b: {  	s15 =	sor.u32 s6, s16  }
0x4c: {  	s15 =	sshrl.u32 s15, $0x3  }
0x4d: {  	p1 =	seq.s32 s13, $0x0;
	s22 =	simm.s32 $0x18680;
	s15 =	sadd.s32 s8, s15  }
0x4e: {  	[tilespmem:s22], [sflag:$0x1] =	stream.linear.gather [hbm4b:s15+s5], $0x80, $0x38;
	[tilespmem:$0x1E700] =	vst v63  }
0x4f: {  	s15 =	simm.s32 @!p1 $0x3  }
0x50: {  	_ =	swait.ge @!p1 [sflag:s15], $0x1000  }
0x51: {  	[sflag:s15] =	ssyncset.done @!p1 $0x0  }
0x52: {  	[sflag:s15] =	ssyncadd.s32 @!p1 $0xFFFFF000  }
0x53: {  	_ =	swait.ge @!p1 [sflag:s15], $0x1000  }
0x54: {  	[sflag:s15] =	ssyncset.done @!p1 $0x0  }
0x55: {  	[sflag:s15] =	ssyncadd.s32 @!p1 $0xFFFFF000  }
0x56: {  	_ =	swait.ge @!p1 [sflag:s15], $0x1000  }
0x57: {  	[sflag:s15] =	ssyncset.done @!p1 $0x0  }
0x58: {  	[sflag:s15] =	ssyncadd.s32 @!p1 $0xFFFFF000  }
0x59: {  	_ =	swait.ge @!p1 [sflag:s15], $0x1000  }
0x5a: {  	[sflag:s15] =	ssyncset.done @!p1 $0x0  }
0x5b: {  	[sflag:s15] =	ssyncadd.s32 @!p1 $0xFFFFF000  }
0x5c: {  	_ =	swait.ge [sflag:s18], $0x6200  }
0x5d: {  	[sflag:s18] =	ssyncset.done $0x0  }
0x5e: {  	[sflag:s18] =	ssyncadd.s32 $0xFFFF9E00  }
0x5f: {  	_ =	swait.ge [sflag:s18], $0x6200  }
0x60: {  	[sflag:s18] =	ssyncset.done $0x0  }
0x61: {  	[sflag:s18] =	ssyncadd.s32 $0xFFFF9E00  }
0x62: {  	_ =	swait.ge [sflag:s18], $0x6200  }
0x63: {  	[sflag:s18] =	ssyncset.done $0x0  }
0x64: {  	[sflag:s18] =	ssyncadd.s32 $0xFFFF9E00  }
0x65: {  	_ =	swait.ge [sflag:s18], $0x6080  }
0x66: {  	[sflag:s18] =	ssyncset.done $0x0  }
0x67: {  	[sflag:s18] =	ssyncadd.s32 $0xFFFF9F80  }
0x68: {  	_ =	swait.ge [sflag:s18], $0x80  }
0x69: {  	[sflag:s18] =	ssyncset.done $0x0  }
0x6a: {  	s23 =	sshll.u32 s13, $0xB;
	s25 =	sshll.u32 s13, $0x4;
	[sflag:s18] =	ssyncadd.s32 $0xFFFFFF80  }
0x6b: {  	s16 =	sand.u32 $0x70, s25;
	s15 =	sand.u32 $0xC000, s23;
	_ =	swait.ge [sflag:s20], $0x1000  }
0x6c: {  	s22 =	simm.s32 $0x18780;
	s15 =	sor.u32 s16, s15;
	[sflag:s20] =	ssyncset.done $0x0  }
0x6d: {  	s23 =	simm.s32 $0x0;
	s16 =	sadd.s32 s15, s9;
	[sflag:s20] =	ssyncadd.s32 $0xFFFFF000  }
.LBB2_4:
0x6e: {  	p1 =	sne.s32 s23, $0xF80  }
.Ltmp5:
0x6f: {  	_ = 	snop;
	(pc) =	sbr.rel @p1 .LBB2_4-.Ltmp5, $4  }
0x70: {  	_ = 	snop  }
0x71: {  	s25 =	sadd.s32 s23, s16  }
0x72: {  	[tilespmem:s22], [sflag:$0x2] =	stream.linear.gather [hbm4b:s25+s5], $0x80, $0x38;
	[tilespmem:$0x1E700] =	vst v63  }
0x73: {  	s23 =	sadd.s32 $0x80, s23;
	s22 =	sadd.s32 $0x100, s22  }
0x74: {  	s16 =	simm.s32 $0x18740  }
0x75: {  	v0 =	vld [tilespmem:s16+$0x30]  }
0x76: {  	v1 =	vld [tilespmem:s16+$0xFFFFFFD0]  }
0x77: {  	v2 =	vld [tilespmem:s16+$0xFFFFFFE0]  }
0x78: {  	v3 =	vld [tilespmem:s16+$0xFFFFFFF0]  }
0x79: {  	v6 =	vld [tilespmem:s16+$0x0]  }
0x7a: {  	v7 =	vld [tilespmem:s16+$0x10]  }
0x7b: {  	v8 =	vld [tilespmem:s16+$0x20]  }
0x7c: {  	v9 =	vld [tilespmem:s16+$0xFFFFFFC0]  }
0x7d: {  	v10 =	vld.idx.msk [tilespmem:v0+s5+$0x0], $0xffff  }
0x7e: {  	v11 =	vld.idx.msk [tilespmem:v1+s5+$0x0], $0xffff  }
0x7f: {  	v5 =	vld.idx.msk [tilespmem:v2+s5+$0x0], $0xffff  }
0x80: {  	v4 =	vld.idx.msk [tilespmem:v3+s5+$0x0], $0xffff  }
0x81: {  	v3 =	vld.idx.msk [tilespmem:v6+s5+$0x0], $0xffff  }
0x82: {  	s16 =	simm.s32 $0x1A740;
	v1 =	vld.idx.msk [tilespmem:v7+s5+$0x0], $0xffff  }
0x83: {  	v0 =	vld.idx.msk [tilespmem:v8+s5+$0x0], $0xffff;
	[tilespmem:s16+$0x30] =	vst v10  }
0x84: {  	s22 =	simm.s32 $0x0;
	s23 =	simm.s32 $0x18840;
	v2 =	vld.idx.msk [tilespmem:v9+s5+$0x0], $0xffff;
	[tilespmem:s16+$0xFFFFFFD0] =	vst v11  }
.LBB2_6:
0x85: {  	v6 =	vld [tilespmem:s23+$0x30];
	s22 =	sadd.s32 $0x8, s22;
	[tilespmem:s16+$0xFFFFFFE0] =	vst v5  }
0x86: {  	v5 =	vld [tilespmem:s23+$0xFFFFFFD0];
	p1 =	slt.u32 s22, $0xF8;
	[tilespmem:s16+$0xFFFFFFF0] =	vst v4  }
0x87: {  	v4 =	vld [tilespmem:s23+$0xFFFFFFE0];
	[tilespmem:s16+$0x0] =	vst v3  }
0x88: {  	v3 =	vld [tilespmem:s23+$0xFFFFFFF0];
	[tilespmem:s16+$0x10] =	vst v1  }
0x89: {  	v1 =	vld [tilespmem:s23+$0x0];
	[tilespmem:s16+$0x20] =	vst v0  }
0x8a: {  	v0 =	vld [tilespmem:s23+$0x10];
	[tilespmem:s16+$0xFFFFFFC0] =	vst v2  }
0x8b: {  	v2 =	vld [tilespmem:s23+$0x20]  }
0x8c: {  	v7 =	vld [tilespmem:s23+$0xFFFFFFC0]  }
0x8d: {  	v6 =	vld.idx.msk [tilespmem:v6+s5+$0x0], $0xffff  }
0x8e: {  	v8 =	vld.idx.msk [tilespmem:v5+s5+$0x0], $0xffff  }
0x8f: {  	v5 =	vld.idx.msk [tilespmem:v4+s5+$0x0], $0xffff  }
.Ltmp6:
0x90: {  	v4 =	vld.idx.msk [tilespmem:v3+s5+$0x0], $0xffff;
	(pc) =	sbr.rel @p1 .LBB2_6-.Ltmp6, $4  }
0x91: {  	v3 =	vld.idx.msk [tilespmem:v1+s5+$0x0], $0xffff  }
0x92: {  	s16 =	sadd.s32 $0x80, s16;
	v1 =	vld.idx.msk [tilespmem:v0+s5+$0x0], $0xffff  }
0x93: {  	v0 =	vld.idx.msk [tilespmem:v2+s5+$0x0], $0xffff;
	[tilespmem:s16+$0x30] =	vst v6  }
0x94: {  	s23 =	sadd.s32 $0x100, s23;
	v2 =	vld.idx.msk [tilespmem:v7+s5+$0x0], $0xffff;
	[tilespmem:s16+$0xFFFFFFD0] =	vst v8  }
0x95: {  	[tilespmem:s16+$0xFFFFFFE0] =	vst v5  }
0x96: {  	[tilespmem:s16+$0xFFFFFFF0] =	vst v4  }
0x97: {  	s14 =	sshll.u32 s14, $0x11;
	[tilespmem:s16+$0x0] =	vst v3  }
0x98: {  	s14 =	sor.u32 s6, s14;
	[tilespmem:s16+$0x10] =	vst v1  }
0x99: {  	s25 =	rddreg [dreg:$0x3];
	s14 =	sshrl.u32 s14, $0x3;
	[tilespmem:s16+$0x20] =	vst v0  }
0x9a: {  	s22 =	simm.s32 $0x1A700;
	[tilespmem:s16+$0xFFFFFFC0] =	vst v2;
	s16 =	sadd.s32 s25, s14  }
0x9b: {  	[hbm4b:s16+s2] =	stream.strided.scatter [tilespmem:s22], [sflag:$0x3], $0x1000, s12, s2, $0x38;
	[tilespmem:$0x1E700] =	vst v63  }
0x9c: {  	_ =	swait.ge [sflag:s20], $0x1000  }
0x9d: {  	s23 =	simm.s32 $0x18700;
	[sflag:s20] =	ssyncset.done $0x0  }
0x9e: {  	s16 =	sadd.s32 s15, s10;
	s22 =	simm.s32 $0x0;
	[sflag:s20] =	ssyncadd.s32 $0xFFFFF000  }
.LBB2_8:
0x9f: {  	p1 =	sne.s32 s22, $0xF80  }
.Ltmp7:
0xa0: {  	_ = 	snop;
	(pc) =	sbr.rel @p1 .LBB2_8-.Ltmp7, $4  }
0xa1: {  	_ = 	snop  }
0xa2: {  	s25 =	sadd.s32 s22, s16  }
0xa3: {  	[tilespmem:s23], [sflag:$0x2] =	stream.linear.gather [hbm4b:s25+s5], $0x80, $0x38;
	[tilespmem:$0x1E700] =	vst v63  }
0xa4: {  	s22 =	sadd.s32 $0x80, s22;
	s23 =	sadd.s32 $0x100, s23  }
0xa5: {  	s16 =	simm.s32 $0x187F0  }
0xa6: {  	v0 =	vld [tilespmem:s16+$0x0]  }
0xa7: {  	v1 =	vld [tilespmem:s16+$0xFFFFFFA0]  }
0xa8: {  	v2 =	vld [tilespmem:s16+$0xFFFFFFB0]  }
0xa9: {  	v3 =	vld [tilespmem:s16+$0xFFFFFFC0]  }
0xaa: {  	v4 =	vld [tilespmem:s16+$0xFFFFFFD0]  }
0xab: {  	v6 =	vld [tilespmem:s16+$0xFFFFFFE0]  }
0xac: {  	v7 =	vld [tilespmem:s16+$0xFFFFFFF0]  }
0xad: {  	v8 =	vld [tilespmem:s16+$0xFFFFFF90]  }
0xae: {  	v9 =	vld.idx.msk [tilespmem:v0+s5+$0x0], $0xffff  }
0xaf: {  	v10 =	vld.idx.msk [tilespmem:v1+s5+$0x0], $0xffff  }
0xb0: {  	v5 =	vld.idx.msk [tilespmem:v2+s5+$0x0], $0xffff  }
0xb1: {  	v3 =	vld.idx.msk [tilespmem:v3+s5+$0x0], $0xffff  }
0xb2: {  	v0 =	vld.idx.msk [tilespmem:v4+s5+$0x0], $0xffff  }
0xb3: {  	s16 =	simm.s32 $0x1B770;
	v1 =	vld.idx.msk [tilespmem:v6+s5+$0x0], $0xffff  }
0xb4: {  	v2 =	vld.idx.msk [tilespmem:v7+s5+$0x0], $0xffff;
	[tilespmem:s16+$0x0] =	vst v9  }
0xb5: {  	s22 =	simm.s32 $0x0;
	s23 =	simm.s32 $0x188F0;
	v4 =	vld.idx.msk [tilespmem:v8+s5+$0x0], $0xffff;
	[tilespmem:s16+$0xFFFFFFA0] =	vst v10  }
.LBB2_10:
0xb6: {  	v6 =	vld [tilespmem:s23+$0x0];
	s22 =	sadd.s32 $0x8, s22;
	[tilespmem:s16+$0xFFFFFFB0] =	vst v5  }
0xb7: {  	v5 =	vld [tilespmem:s23+$0xFFFFFFA0];
	p1 =	slt.u32 s22, $0xF8;
	[tilespmem:s16+$0xFFFFFFC0] =	vst v3  }
0xb8: {  	v3 =	vld [tilespmem:s23+$0xFFFFFFB0];
	[tilespmem:s16+$0xFFFFFFD0] =	vst v0  }
0xb9: {  	v0 =	vld [tilespmem:s23+$0xFFFFFFC0];
	[tilespmem:s16+$0xFFFFFFE0] =	vst v1  }
0xba: {  	v1 =	vld [tilespmem:s23+$0xFFFFFFD0];
	[tilespmem:s16+$0xFFFFFFF0] =	vst v2  }
0xbb: {  	v2 =	vld [tilespmem:s23+$0xFFFFFFE0];
	[tilespmem:s16+$0xFFFFFF90] =	vst v4  }
0xbc: {  	v4 =	vld [tilespmem:s23+$0xFFFFFFF0]  }
0xbd: {  	v7 =	vld [tilespmem:s23+$0xFFFFFF90]  }
0xbe: {  	v6 =	vld.idx.msk [tilespmem:v6+s5+$0x0], $0xffff  }
0xbf: {  	v8 =	vld.idx.msk [tilespmem:v5+s5+$0x0], $0xffff  }
0xc0: {  	v5 =	vld.idx.msk [tilespmem:v3+s5+$0x0], $0xffff  }
.Ltmp8:
0xc1: {  	v3 =	vld.idx.msk [tilespmem:v0+s5+$0x0], $0xffff;
	(pc) =	sbr.rel @p1 .LBB2_10-.Ltmp8, $4  }
0xc2: {  	v0 =	vld.idx.msk [tilespmem:v1+s5+$0x0], $0xffff  }
0xc3: {  	s16 =	sadd.s32 $0x80, s16;
	v1 =	vld.idx.msk [tilespmem:v2+s5+$0x0], $0xffff  }
0xc4: {  	v2 =	vld.idx.msk [tilespmem:v4+s5+$0x0], $0xffff;
	[tilespmem:s16+$0x0] =	vst v6  }
0xc5: {  	s23 =	sadd.s32 $0x100, s23;
	v4 =	vld.idx.msk [tilespmem:v7+s5+$0x0], $0xffff;
	[tilespmem:s16+$0xFFFFFFA0] =	vst v8  }
0xc6: {  	[tilespmem:s16+$0xFFFFFFB0] =	vst v5  }
0xc7: {  	[tilespmem:s16+$0xFFFFFFC0] =	vst v3  }
0xc8: {  	[tilespmem:s16+$0xFFFFFFD0] =	vst v0  }
0xc9: {  	[tilespmem:s16+$0xFFFFFFE0] =	vst v1  }
0xca: {  	[tilespmem:s16+$0xFFFFFFF0] =	vst v2  }
0xcb: {  	s25 =	sadd.s32 s14, s30;
	s22 =	simm.s32 $0x1B700;
	[tilespmem:s16+$0xFFFFFF90] =	vst v4  }
0xcc: {  	[hbm4b:s25+s2] =	stream.strided.scatter [tilespmem:s22], [sflag:$0x3], $0x1000, s12, s2, $0x38;
	[tilespmem:$0x1E700] =	vst v63  }
0xcd: {  	_ =	swait.ge [sflag:s20], $0x1000  }
0xce: {  	s15 =	sadd.s32 s15, s11;
	[sflag:s20] =	ssyncset.done $0x0  }
0xcf: {  	s16 =	simm.s32 $0x0;
	s22 =	simm.s32 $0x18780;
	[sflag:s20] =	ssyncadd.s32 $0xFFFFF000  }
.LBB2_12:
0xd0: {  	p1 =	sne.s32 s16, $0xF80  }
.Ltmp9:
0xd1: {  	_ = 	snop;
	(pc) =	sbr.rel @p1 .LBB2_12-.Ltmp9, $4  }
0xd2: {  	_ = 	snop  }
0xd3: {  	s23 =	sadd.s32 s16, s15  }
0xd4: {  	[tilespmem:s22], [sflag:$0x2] =	stream.linear.gather [hbm4b:s23+s5], $0x80, $0x38;
	[tilespmem:$0x1E700] =	vst v63  }
0xd5: {  	s16 =	sadd.s32 $0x80, s16;
	s22 =	sadd.s32 $0x100, s22  }
0xd6: {  	s15 =	simm.s32 $0x18740  }
0xd7: {  	v0 =	vld [tilespmem:s15+$0x30]  }
0xd8: {  	v1 =	vld [tilespmem:s15+$0xFFFFFFD0]  }
0xd9: {  	v2 =	vld [tilespmem:s15+$0xFFFFFFE0]  }
0xda: {  	v3 =	vld [tilespmem:s15+$0xFFFFFFF0]  }
0xdb: {  	v4 =	vld [tilespmem:s15+$0x0]  }
0xdc: {  	v6 =	vld [tilespmem:s15+$0x10]  }
0xdd: {  	v7 =	vld [tilespmem:s15+$0x20]  }
0xde: {  	v8 =	vld [tilespmem:s15+$0xFFFFFFC0]  }
0xdf: {  	v9 =	vld.idx.msk [tilespmem:v0+s5+$0x0], $0xffff  }
0xe0: {  	v10 =	vld.idx.msk [tilespmem:v1+s5+$0x0], $0xffff  }
0xe1: {  	v5 =	vld.idx.msk [tilespmem:v2+s5+$0x0], $0xffff  }
0xe2: {  	v3 =	vld.idx.msk [tilespmem:v3+s5+$0x0], $0xffff  }
0xe3: {  	v0 =	vld.idx.msk [tilespmem:v4+s5+$0x0], $0xffff  }
0xe4: {  	s15 =	simm.s32 $0x1C770;
	v1 =	vld.idx.msk [tilespmem:v6+s5+$0x0], $0xffff  }
0xe5: {  	v2 =	vld.idx.msk [tilespmem:v7+s5+$0x0], $0xffff;
	[tilespmem:s15+$0x0] =	vst v9  }
0xe6: {  	s16 =	simm.s32 $0x0;
	s22 =	simm.s32 $0x18840;
	v4 =	vld.idx.msk [tilespmem:v8+s5+$0x0], $0xffff;
	[tilespmem:s15+$0xFFFFFFA0] =	vst v10  }
.LBB2_14:
0xe7: {  	v6 =	vld [tilespmem:s22+$0x30];
	s16 =	sadd.s32 $0x8, s16;
	[tilespmem:s15+$0xFFFFFFB0] =	vst v5  }
0xe8: {  	v5 =	vld [tilespmem:s22+$0xFFFFFFD0];
	p1 =	slt.u32 s16, $0xF8;
	[tilespmem:s15+$0xFFFFFFC0] =	vst v3  }
0xe9: {  	v3 =	vld [tilespmem:s22+$0xFFFFFFE0];
	[tilespmem:s15+$0xFFFFFFD0] =	vst v0  }
0xea: {  	v0 =	vld [tilespmem:s22+$0xFFFFFFF0];
	[tilespmem:s15+$0xFFFFFFE0] =	vst v1  }
0xeb: {  	v1 =	vld [tilespmem:s22+$0x0];
	[tilespmem:s15+$0xFFFFFFF0] =	vst v2  }
0xec: {  	v2 =	vld [tilespmem:s22+$0x10];
	[tilespmem:s15+$0xFFFFFF90] =	vst v4  }
0xed: {  	v4 =	vld [tilespmem:s22+$0x20]  }
0xee: {  	v7 =	vld [tilespmem:s22+$0xFFFFFFC0]  }
0xef: {  	v6 =	vld.idx.msk [tilespmem:v6+s5+$0x0], $0xffff  }
0xf0: {  	v8 =	vld.idx.msk [tilespmem:v5+s5+$0x0], $0xffff  }
0xf1: {  	v5 =	vld.idx.msk [tilespmem:v3+s5+$0x0], $0xffff  }
.Ltmp10:
0xf2: {  	v3 =	vld.idx.msk [tilespmem:v0+s5+$0x0], $0xffff;
	(pc) =	sbr.rel @p1 .LBB2_14-.Ltmp10, $4  }
0xf3: {  	v0 =	vld.idx.msk [tilespmem:v1+s5+$0x0], $0xffff  }
0xf4: {  	s15 =	sadd.s32 $0x80, s15;
	v1 =	vld.idx.msk [tilespmem:v2+s5+$0x0], $0xffff  }
0xf5: {  	v2 =	vld.idx.msk [tilespmem:v4+s5+$0x0], $0xffff;
	[tilespmem:s15+$0x0] =	vst v6  }
0xf6: {  	s22 =	sadd.s32 $0x100, s22;
	v4 =	vld.idx.msk [tilespmem:v7+s5+$0x0], $0xffff;
	[tilespmem:s15+$0xFFFFFFA0] =	vst v8  }
0xf7: {  	[tilespmem:s15+$0xFFFFFFB0] =	vst v5  }
0xf8: {  	[tilespmem:s15+$0xFFFFFFC0] =	vst v3  }
0xf9: {  	[tilespmem:s15+$0xFFFFFFD0] =	vst v0  }
0xfa: {  	[tilespmem:s15+$0xFFFFFFE0] =	vst v1  }
0xfb: {  	[tilespmem:s15+$0xFFFFFFF0] =	vst v2  }
0xfc: {  	s23 =	sadd.s32 s14, s31;
	s16 =	simm.s32 $0x1C700;
	[tilespmem:s15+$0xFFFFFF90] =	vst v4  }
0xfd: {  	[hbm4b:s23+s2] =	stream.strided.scatter [tilespmem:s16], [sflag:$0x3], $0x1000, s12, s2, $0x38;
	[tilespmem:$0x1E700] =	vst v63  }
0xfe: {  	_ =	swait.ge [sflag:s20], $0x1000  }
0xff: {  	[sflag:s20] =	ssyncset.done $0x0  }
0x100: {  	s25 =	simm.s32 $0x187F0;
	[sflag:s20] =	ssyncadd.s32 $0xFFFFF000  }
0x101: {  	v0 =	vld [tilespmem:s25+$0x0]  }
0x102: {  	v1 =	vld [tilespmem:s25+$0xFFFFFFA0]  }
0x103: {  	v2 =	vld [tilespmem:s25+$0xFFFFFFB0]  }
0x104: {  	v3 =	vld [tilespmem:s25+$0xFFFFFFC0]  }
0x105: {  	v4 =	vld [tilespmem:s25+$0xFFFFFFD0]  }
0x106: {  	v6 =	vld [tilespmem:s25+$0xFFFFFFE0]  }
0x107: {  	v7 =	vld [tilespmem:s25+$0xFFFFFFF0]  }
0x108: {  	v8 =	vld [tilespmem:s25+$0xFFFFFF90]  }
0x109: {  	v9 =	vld.idx.msk [tilespmem:v0+s5+$0x0], $0xffff  }
0x10a: {  	v10 =	vld.idx.msk [tilespmem:v1+s5+$0x0], $0xffff  }
0x10b: {  	v5 =	vld.idx.msk [tilespmem:v2+s5+$0x0], $0xffff  }
0x10c: {  	v3 =	vld.idx.msk [tilespmem:v3+s5+$0x0], $0xffff  }
0x10d: {  	v0 =	vld.idx.msk [tilespmem:v4+s5+$0x0], $0xffff  }
0x10e: {  	s15 =	simm.s32 $0x1D770;
	v1 =	vld.idx.msk [tilespmem:v6+s5+$0x0], $0xffff  }
0x10f: {  	v2 =	vld.idx.msk [tilespmem:v7+s5+$0x0], $0xffff;
	[tilespmem:s15+$0x0] =	vst v9  }
0x110: {  	s22 =	simm.s32 $0x188F0;
	s16 =	simm.s32 $0x0;
	v4 =	vld.idx.msk [tilespmem:v8+s5+$0x0], $0xffff;
	[tilespmem:s15+$0xFFFFFFA0] =	vst v10  }
.LBB2_16:
0x111: {  	v6 =	vld [tilespmem:s22+$0x0];
	s16 =	sadd.s32 $0x8, s16;
	[tilespmem:s15+$0xFFFFFFB0] =	vst v5  }
0x112: {  	v5 =	vld [tilespmem:s22+$0xFFFFFFA0];
	p1 =	slt.u32 s16, $0xF8;
	[tilespmem:s15+$0xFFFFFFC0] =	vst v3  }
0x113: {  	v3 =	vld [tilespmem:s22+$0xFFFFFFB0];
	[tilespmem:s15+$0xFFFFFFD0] =	vst v0  }
0x114: {  	v0 =	vld [tilespmem:s22+$0xFFFFFFC0];
	[tilespmem:s15+$0xFFFFFFE0] =	vst v1  }
0x115: {  	v1 =	vld [tilespmem:s22+$0xFFFFFFD0];
	[tilespmem:s15+$0xFFFFFFF0] =	vst v2  }
0x116: {  	v2 =	vld [tilespmem:s22+$0xFFFFFFE0];
	[tilespmem:s15+$0xFFFFFF90] =	vst v4  }
0x117: {  	v4 =	vld [tilespmem:s22+$0xFFFFFFF0]  }
0x118: {  	v7 =	vld [tilespmem:s22+$0xFFFFFF90]  }
0x119: {  	v6 =	vld.idx.msk [tilespmem:v6+s5+$0x0], $0xffff  }
0x11a: {  	v8 =	vld.idx.msk [tilespmem:v5+s5+$0x0], $0xffff  }
0x11b: {  	v5 =	vld.idx.msk [tilespmem:v3+s5+$0x0], $0xffff  }
.Ltmp11:
0x11c: {  	v3 =	vld.idx.msk [tilespmem:v0+s5+$0x0], $0xffff;
	(pc) =	sbr.rel @p1 .LBB2_16-.Ltmp11, $4  }
0x11d: {  	v0 =	vld.idx.msk [tilespmem:v1+s5+$0x0], $0xffff  }
0x11e: {  	s15 =	sadd.s32 $0x80, s15;
	v1 =	vld.idx.msk [tilespmem:v2+s5+$0x0], $0xffff  }
0x11f: {  	v2 =	vld.idx.msk [tilespmem:v4+s5+$0x0], $0xffff;
	[tilespmem:s15+$0x0] =	vst v6  }
0x120: {  	s22 =	sadd.s32 $0x100, s22;
	v4 =	vld.idx.msk [tilespmem:v7+s5+$0x0], $0xffff;
	[tilespmem:s15+$0xFFFFFFA0] =	vst v8  }
0x121: {  	[tilespmem:s15+$0xFFFFFFB0] =	vst v5  }
0x122: {  	[tilespmem:s15+$0xFFFFFFC0] =	vst v3;
	p1 =	seq.s32 s13, $0x19  }
.Ltmp12:
0x123: {  	[tilespmem:s15+$0xFFFFFFD0] =	vst v0;
	(pc) =	sbr.rel @!p1 .LBB2_18-.Ltmp12, $4  }
0x124: {  	[tilespmem:s15+$0xFFFFFFE0] =	vst v1  }
0x125: {  	[tilespmem:s15+$0xFFFFFFF0] =	vst v2  }
0x126: {  	s14 =	sadd.s32 s14, s1;
	[tilespmem:s15+$0xFFFFFF90] =	vst v4  }
0x127: {  	[hbm4b:s14+s2] =	stream.strided.scatter [tilespmem:s3], [sflag:$0x3], $0x1000, s12, s2, $0x38;
	[tilespmem:$0x1E700] =	vst v63  }
0x128: {  	s13 =	simm.s32 $0x3  }
0x129: {  	_ =	swait.ge [sflag:s13], $0x1000  }
0x12a: {  	[sflag:s13] =	ssyncset.done $0x0  }
0x12b: {  	[sflag:s13] =	ssyncadd.s32 $0xFFFFF000  }
0x12c: {  	_ =	swait.ge [sflag:s13], $0x1000  }
0x12d: {  	[sflag:s13] =	ssyncset.done $0x0  }
0x12e: {  	[sflag:s13] =	ssyncadd.s32 $0xFFFFF000  }
0x12f: {  	_ =	swait.ge [sflag:s13], $0x1000  }
.Ltmp13:
0x130: {  	[sflag:s13] =	ssyncset.done $0x0;
	(pc) =	sbr.rel @p0 .LBB2_39-.Ltmp13, $4  }
0x131: {  	[sflag:s13] =	ssyncadd.s32 $0xFFFFF000  }
0x132: {  	_ =	swait.ge [sflag:s13], $0x1000  }
0x133: {  	[sflag:s13] =	ssyncset.done $0x0  }
0x134: {  	s22 =	simm.s32 $0x4;
	s14 =	rddreg [dreg:$0x10];
	[sflag:s13] =	ssyncadd.s32 $0xFFFFF000  }
0x135: {  	s13 =	simm.s32 $0x0;
	s14 =	rddreg [dreg:$0x6]  }
0x136: {  	[tilespmem:s13], [sflag:$0x1] =	stream.strided.gather [hbm4b:s14+s2], $0x6200, s12, s2, $0x38;
	[tilespmem:$0x1E700] =	vst v63  }
0x137: {  	s16 =	rddreg [dreg:$0x7];
	s15 =	simm.s32 $0x6200  }
0x138: {  	[tilespmem:s15], [sflag:$0x1] =	stream.strided.gather [hbm4b:s16+s2], $0x6200, s12, s2, $0x38;
	[tilespmem:$0x1E700] =	vst v63  }
0x139: {  	s23 =	rddreg [dreg:$0x8];
	s25 =	simm.s32 $0xC400  }
0x13a: {  	[tilespmem:s25], [sflag:$0x1] =	stream.strided.gather [hbm4b:s23+s2], $0x6200, s12, s2, $0x38;
	[tilespmem:$0x1E700] =	vst v63  }
0x13b: {  	s15 =	rddreg [dreg:$0x9];
	s16 =	simm.s32 $0x12600  }
0x13c: {  	[tilespmem:s16], [sflag:$0x1] =	stream.strided.gather [hbm4b:s15+s2], $0x6080, s12, s2, $0x38;
	[tilespmem:$0x1E700] =	vst v63  }
0x13d: {  	s23 =	rddreg [dreg:$0xa];
	s25 =	simm.s32 $0x18680  }
0x13e: {  	[tilespmem:s25], [sflag:$0x1] =	stream.linear.gather [hbm4b:s23+s13], $0x80, $0x38;
	[tilespmem:$0x1E700] =	vst v63  }
0x13f: {  	_ =	swait.ge [sflag:s18], $0x6200  }
0x140: {  	[sflag:s18] =	ssyncset.done $0x0  }
0x141: {  	[sflag:s18] =	ssyncadd.s32 $0xFFFF9E00  }
0x142: {  	_ =	swait.ge [sflag:s18], $0x6200  }
0x143: {  	[sflag:s18] =	ssyncset.done $0x0  }
0x144: {  	[sflag:s18] =	ssyncadd.s32 $0xFFFF9E00  }
0x145: {  	_ =	swait.ge [sflag:s18], $0x6200  }
0x146: {  	[sflag:s18] =	ssyncset.done $0x0  }
0x147: {  	[sflag:s18] =	ssyncadd.s32 $0xFFFF9E00  }
0x148: {  	_ =	swait.ge [sflag:s18], $0x6080  }
0x149: {  	[sflag:s18] =	ssyncset.done $0x0  }
0x14a: {  	[sflag:s18] =	ssyncadd.s32 $0xFFFF9F80  }
0x14b: {  	_ =	swait.ge [sflag:s18], $0x80  }
0x14c: {  	s14 =	simm.s32 $0x80;
	s16 =	sadd.s32 $0x0, s17;
	[sflag:s18] =	ssyncset.done $0x0  }
0x14d: {  	s15 =	simm.s32 $0x18800;
	s13 =	simm.s32 $0x18700;
	[sflag:s18] =	ssyncadd.s32 $0xFFFFFF80  }
.LBB2_23:
0x14e: {  	[tilespmem:s13], [sflag:$0x4] =	stream.linear.gather [hbm4b:s16+s5], $0x80, $0x38;
	[tilespmem:$0x1E700] =	vst v63  }
0x14f: {  	s16 =	smov.u32 s14;
	s13 =	smov.u32 s15;
	p1 =	sne.s32 s14, $0xF80  }
.Ltmp14:
0x150: {  	s14 =	sadd.s32 $0x80, s14;
	(pc) =	sbr.rel @p1 .LBB2_23-.Ltmp14, $2  }
0x151: {  	_ =	sdelay $0x2  }
0x152: {  	s15 =	sadd.s32 $0x100, s15;
	s16 =	sadd.s32 s16, s17  }
0x153: {  	[tilespmem:s13], [sflag:$0x4] =	stream.linear.gather [hbm4b:s16+s5], $0x80, $0x38;
	[tilespmem:$0x1E700] =	vst v63  }
0x154: {  	_ =	swait.ge [sflag:s22], $0x1000  }
0x155: {  	[sflag:s22] =	ssyncset.done $0x0  }
0x156: {  	s25 =	simm.s32 $0x18740;
	[sflag:s22] =	ssyncadd.s32 $0xFFFFF000  }
0x157: {  	v0 =	vld [tilespmem:s25+$0x30]  }
0x158: {  	v1 =	vld [tilespmem:s25+$0xFFFFFFD0]  }
0x159: {  	v2 =	vld [tilespmem:s25+$0xFFFFFFE0]  }
0x15a: {  	v3 =	vld [tilespmem:s25+$0xFFFFFFF0]  }
0x15b: {  	v4 =	vld [tilespmem:s25+$0x0]  }
0x15c: {  	v6 =	vld [tilespmem:s25+$0x10]  }
0x15d: {  	v7 =	vld [tilespmem:s25+$0x20]  }
0x15e: {  	v8 =	vld [tilespmem:s25+$0xFFFFFFC0]  }
0x15f: {  	v9 =	vld.idx.msk [tilespmem:v0+s5+$0x0], $0xffff  }
0x160: {  	v10 =	vld.idx.msk [tilespmem:v1+s5+$0x0], $0xffff  }
0x161: {  	v5 =	vld.idx.msk [tilespmem:v2+s5+$0x0], $0xffff  }
0x162: {  	v3 =	vld.idx.msk [tilespmem:v3+s5+$0x0], $0xffff  }
0x163: {  	v0 =	vld.idx.msk [tilespmem:v4+s5+$0x0], $0xffff  }
0x164: {  	s13 =	simm.s32 $0x1A740;
	v1 =	vld.idx.msk [tilespmem:v6+s5+$0x0], $0xffff  }
0x165: {  	v2 =	vld.idx.msk [tilespmem:v7+s5+$0x0], $0xffff;
	[tilespmem:s13+$0x30] =	vst v9  }
0x166: {  	s14 =	simm.s32 $0x0;
	s15 =	simm.s32 $0x18840;
	v4 =	vld.idx.msk [tilespmem:v8+s5+$0x0], $0xffff;
	[tilespmem:s13+$0xFFFFFFD0] =	vst v10  }
.LBB2_25:
0x167: {  	v6 =	vld [tilespmem:s15+$0x30];
	s14 =	sadd.s32 $0x8, s14;
	[tilespmem:s13+$0xFFFFFFE0] =	vst v5  }
0x168: {  	v5 =	vld [tilespmem:s15+$0xFFFFFFD0];
	p1 =	slt.u32 s14, $0xF8;
	[tilespmem:s13+$0xFFFFFFF0] =	vst v3  }
0x169: {  	v3 =	vld [tilespmem:s15+$0xFFFFFFE0];
	[tilespmem:s13+$0x0] =	vst v0  }
0x16a: {  	v0 =	vld [tilespmem:s15+$0xFFFFFFF0];
	[tilespmem:s13+$0x10] =	vst v1  }
0x16b: {  	v1 =	vld [tilespmem:s15+$0x0];
	[tilespmem:s13+$0x20] =	vst v2  }
0x16c: {  	v2 =	vld [tilespmem:s15+$0x10];
	[tilespmem:s13+$0xFFFFFFC0] =	vst v4  }
0x16d: {  	v4 =	vld [tilespmem:s15+$0x20]  }
0x16e: {  	v7 =	vld [tilespmem:s15+$0xFFFFFFC0]  }
0x16f: {  	v6 =	vld.idx.msk [tilespmem:v6+s5+$0x0], $0xffff  }
0x170: {  	v8 =	vld.idx.msk [tilespmem:v5+s5+$0x0], $0xffff  }
0x171: {  	v5 =	vld.idx.msk [tilespmem:v3+s5+$0x0], $0xffff  }
.Ltmp15:
0x172: {  	v3 =	vld.idx.msk [tilespmem:v0+s5+$0x0], $0xffff;
	(pc) =	sbr.rel @p1 .LBB2_25-.Ltmp15, $4  }
0x173: {  	v0 =	vld.idx.msk [tilespmem:v1+s5+$0x0], $0xffff  }
0x174: {  	s13 =	sadd.s32 $0x80, s13;
	v1 =	vld.idx.msk [tilespmem:v2+s5+$0x0], $0xffff  }
0x175: {  	v2 =	vld.idx.msk [tilespmem:v4+s5+$0x0], $0xffff;
	[tilespmem:s13+$0x30] =	vst v6  }
0x176: {  	s15 =	sadd.s32 $0x100, s15;
	v4 =	vld.idx.msk [tilespmem:v7+s5+$0x0], $0xffff;
	[tilespmem:s13+$0xFFFFFFD0] =	vst v8  }
0x177: {  	[tilespmem:s13+$0xFFFFFFE0] =	vst v5  }
0x178: {  	[tilespmem:s13+$0xFFFFFFF0] =	vst v3  }
0x179: {  	[tilespmem:s13+$0x0] =	vst v0  }
0x17a: {  	[tilespmem:s13+$0x10] =	vst v1  }
0x17b: {  	[tilespmem:s13+$0x20] =	vst v2  }
0x17c: {  	[tilespmem:s13+$0xFFFFFFC0] =	vst v4  }
0x17d: {  	s14 =	simm.s32 $0x1A700;
	s13 =	rddreg [dreg:$0xb]  }
0x17e: {  	[hbm4b:s13+s2] =	stream.strided.scatter [tilespmem:s14], [sflag:$0x4], $0x1000, s12, s2, $0x38;
	[tilespmem:$0x1E700] =	vst v63  }
0x17f: {  	_ =	swait.ge [sflag:s22], $0x1000  }
0x180: {  	s16 =	sadd.s32 $0x0, s19;
	s15 =	simm.s32 $0x18800;
	[sflag:s22] =	ssyncset.done $0x0  }
0x181: {  	s13 =	simm.s32 $0x18700;
	s14 =	simm.s32 $0x80;
	[sflag:s22] =	ssyncadd.s32 $0xFFFFF000  }
.LBB2_27:
0x182: {  	[tilespmem:s13], [sflag:$0x4] =	stream.linear.gather [hbm4b:s16+s5], $0x80, $0x38;
	[tilespmem:$0x1E700] =	vst v63  }
0x183: {  	s16 =	smov.u32 s14;
	s13 =	smov.u32 s15;
	p1 =	sne.s32 s14, $0xF80  }
.Ltmp16:
0x184: {  	s14 =	sadd.s32 $0x80, s14;
	(pc) =	sbr.rel @p1 .LBB2_27-.Ltmp16, $2  }
0x185: {  	_ =	sdelay $0x2  }
0x186: {  	s15 =	sadd.s32 $0x100, s15;
	s16 =	sadd.s32 s16, s19  }
0x187: {  	[tilespmem:s13], [sflag:$0x4] =	stream.linear.gather [hbm4b:s16+s5], $0x80, $0x38;
	[tilespmem:$0x1E700] =	vst v63  }
0x188: {  	_ =	swait.ge [sflag:s22], $0x1000  }
0x189: {  	[sflag:s22] =	ssyncset.done $0x0  }
0x18a: {  	s25 =	simm.s32 $0x18740;
	[sflag:s22] =	ssyncadd.s32 $0xFFFFF000  }
0x18b: {  	v0 =	vld [tilespmem:s25+$0x30]  }
0x18c: {  	v1 =	vld [tilespmem:s25+$0xFFFFFFD0]  }
0x18d: {  	v2 =	vld [tilespmem:s25+$0xFFFFFFE0]  }
0x18e: {  	v3 =	vld [tilespmem:s25+$0xFFFFFFF0]  }
0x18f: {  	v4 =	vld [tilespmem:s25+$0x0]  }
0x190: {  	v6 =	vld [tilespmem:s25+$0x10]  }
0x191: {  	v7 =	vld [tilespmem:s25+$0x20]  }
0x192: {  	v8 =	vld [tilespmem:s25+$0xFFFFFFC0]  }
0x193: {  	v9 =	vld.idx.msk [tilespmem:v0+s5+$0x0], $0xffff  }
0x194: {  	v10 =	vld.idx.msk [tilespmem:v1+s5+$0x0], $0xffff  }
0x195: {  	v5 =	vld.idx.msk [tilespmem:v2+s5+$0x0], $0xffff  }
0x196: {  	v3 =	vld.idx.msk [tilespmem:v3+s5+$0x0], $0xffff  }
0x197: {  	v0 =	vld.idx.msk [tilespmem:v4+s5+$0x0], $0xffff  }
0x198: {  	s13 =	simm.s32 $0x1B770;
	v1 =	vld.idx.msk [tilespmem:v6+s5+$0x0], $0xffff  }
0x199: {  	v2 =	vld.idx.msk [tilespmem:v7+s5+$0x0], $0xffff;
	[tilespmem:s13+$0x0] =	vst v9  }
0x19a: {  	s14 =	simm.s32 $0x0;
	s15 =	simm.s32 $0x18840;
	v4 =	vld.idx.msk [tilespmem:v8+s5+$0x0], $0xffff;
	[tilespmem:s13+$0xFFFFFFA0] =	vst v10  }
.LBB2_29:
0x19b: {  	v6 =	vld [tilespmem:s15+$0x30];
	s14 =	sadd.s32 $0x8, s14;
	[tilespmem:s13+$0xFFFFFFB0] =	vst v5  }
0x19c: {  	v5 =	vld [tilespmem:s15+$0xFFFFFFD0];
	p1 =	slt.u32 s14, $0xF8;
	[tilespmem:s13+$0xFFFFFFC0] =	vst v3  }
0x19d: {  	v3 =	vld [tilespmem:s15+$0xFFFFFFE0];
	[tilespmem:s13+$0xFFFFFFD0] =	vst v0  }
0x19e: {  	v0 =	vld [tilespmem:s15+$0xFFFFFFF0];
	[tilespmem:s13+$0xFFFFFFE0] =	vst v1  }
0x19f: {  	v1 =	vld [tilespmem:s15+$0x0];
	[tilespmem:s13+$0xFFFFFFF0] =	vst v2  }
0x1a0: {  	v2 =	vld [tilespmem:s15+$0x10];
	[tilespmem:s13+$0xFFFFFF90] =	vst v4  }
0x1a1: {  	v4 =	vld [tilespmem:s15+$0x20]  }
0x1a2: {  	v7 =	vld [tilespmem:s15+$0xFFFFFFC0]  }
0x1a3: {  	v6 =	vld.idx.msk [tilespmem:v6+s5+$0x0], $0xffff  }
0x1a4: {  	v8 =	vld.idx.msk [tilespmem:v5+s5+$0x0], $0xffff  }
0x1a5: {  	v5 =	vld.idx.msk [tilespmem:v3+s5+$0x0], $0xffff  }
.Ltmp17:
0x1a6: {  	v3 =	vld.idx.msk [tilespmem:v0+s5+$0x0], $0xffff;
	(pc) =	sbr.rel @p1 .LBB2_29-.Ltmp17, $4  }
0x1a7: {  	v0 =	vld.idx.msk [tilespmem:v1+s5+$0x0], $0xffff  }
0x1a8: {  	s13 =	sadd.s32 $0x80, s13;
	v1 =	vld.idx.msk [tilespmem:v2+s5+$0x0], $0xffff  }
0x1a9: {  	v2 =	vld.idx.msk [tilespmem:v4+s5+$0x0], $0xffff;
	[tilespmem:s13+$0x0] =	vst v6  }
0x1aa: {  	s15 =	sadd.s32 $0x100, s15;
	v4 =	vld.idx.msk [tilespmem:v7+s5+$0x0], $0xffff;
	[tilespmem:s13+$0xFFFFFFA0] =	vst v8  }
0x1ab: {  	[tilespmem:s13+$0xFFFFFFB0] =	vst v5  }
0x1ac: {  	[tilespmem:s13+$0xFFFFFFC0] =	vst v3  }
0x1ad: {  	[tilespmem:s13+$0xFFFFFFD0] =	vst v0  }
0x1ae: {  	[tilespmem:s13+$0xFFFFFFE0] =	vst v1  }
0x1af: {  	[tilespmem:s13+$0xFFFFFFF0] =	vst v2  }
0x1b0: {  	[tilespmem:s13+$0xFFFFFF90] =	vst v4  }
0x1b1: {  	s14 =	simm.s32 $0x1B700;
	s13 =	rddreg [dreg:$0xc]  }
0x1b2: {  	[hbm4b:s13+s2] =	stream.strided.scatter [tilespmem:s14], [sflag:$0x4], $0x1000, s12, s2, $0x38;
	[tilespmem:$0x1E700] =	vst v63  }
0x1b3: {  	_ =	swait.ge [sflag:s22], $0x1000  }
0x1b4: {  	s16 =	sadd.s32 $0x0, s21;
	s15 =	simm.s32 $0x18800;
	[sflag:s22] =	ssyncset.done $0x0  }
0x1b5: {  	s13 =	simm.s32 $0x18700;
	s14 =	simm.s32 $0x80;
	[sflag:s22] =	ssyncadd.s32 $0xFFFFF000  }
.LBB2_31:
0x1b6: {  	[tilespmem:s13], [sflag:$0x4] =	stream.linear.gather [hbm4b:s16+s5], $0x80, $0x38;
	[tilespmem:$0x1E700] =	vst v63  }
0x1b7: {  	s16 =	smov.u32 s14;
	s13 =	smov.u32 s15;
	p1 =	sne.s32 s14, $0xF80  }
.Ltmp18:
0x1b8: {  	s14 =	sadd.s32 $0x80, s14;
	(pc) =	sbr.rel @p1 .LBB2_31-.Ltmp18, $2  }
0x1b9: {  	_ =	sdelay $0x2  }
0x1ba: {  	s15 =	sadd.s32 $0x100, s15;
	s16 =	sadd.s32 s16, s21  }
0x1bb: {  	[tilespmem:s13], [sflag:$0x4] =	stream.linear.gather [hbm4b:s16+s5], $0x80, $0x38;
	[tilespmem:$0x1E700] =	vst v63  }
0x1bc: {  	_ =	swait.ge [sflag:s22], $0x1000  }
0x1bd: {  	[sflag:s22] =	ssyncset.done $0x0  }
0x1be: {  	s25 =	simm.s32 $0x18740;
	[sflag:s22] =	ssyncadd.s32 $0xFFFFF000  }
0x1bf: {  	v0 =	vld [tilespmem:s25+$0x30]  }
0x1c0: {  	v1 =	vld [tilespmem:s25+$0xFFFFFFD0]  }
0x1c1: {  	v2 =	vld [tilespmem:s25+$0xFFFFFFE0]  }
0x1c2: {  	v3 =	vld [tilespmem:s25+$0xFFFFFFF0]  }
0x1c3: {  	v4 =	vld [tilespmem:s25+$0x0]  }
0x1c4: {  	v6 =	vld [tilespmem:s25+$0x10]  }
0x1c5: {  	v7 =	vld [tilespmem:s25+$0x20]  }
0x1c6: {  	v8 =	vld [tilespmem:s25+$0xFFFFFFC0]  }
0x1c7: {  	v9 =	vld.idx.msk [tilespmem:v0+s5+$0x0], $0xffff  }
0x1c8: {  	v10 =	vld.idx.msk [tilespmem:v1+s5+$0x0], $0xffff  }
0x1c9: {  	v5 =	vld.idx.msk [tilespmem:v2+s5+$0x0], $0xffff  }
0x1ca: {  	v3 =	vld.idx.msk [tilespmem:v3+s5+$0x0], $0xffff  }
0x1cb: {  	v0 =	vld.idx.msk [tilespmem:v4+s5+$0x0], $0xffff  }
0x1cc: {  	s13 =	simm.s32 $0x1C770;
	v1 =	vld.idx.msk [tilespmem:v6+s5+$0x0], $0xffff  }
0x1cd: {  	v2 =	vld.idx.msk [tilespmem:v7+s5+$0x0], $0xffff;
	[tilespmem:s13+$0x0] =	vst v9  }
0x1ce: {  	s14 =	simm.s32 $0x0;
	s15 =	simm.s32 $0x18840;
	v4 =	vld.idx.msk [tilespmem:v8+s5+$0x0], $0xffff;
	[tilespmem:s13+$0xFFFFFFA0] =	vst v10  }
.LBB2_33:
0x1cf: {  	v6 =	vld [tilespmem:s15+$0x30];
	s14 =	sadd.s32 $0x8, s14;
	[tilespmem:s13+$0xFFFFFFB0] =	vst v5  }
0x1d0: {  	v5 =	vld [tilespmem:s15+$0xFFFFFFD0];
	p1 =	slt.u32 s14, $0xF8;
	[tilespmem:s13+$0xFFFFFFC0] =	vst v3  }
0x1d1: {  	v3 =	vld [tilespmem:s15+$0xFFFFFFE0];
	[tilespmem:s13+$0xFFFFFFD0] =	vst v0  }
0x1d2: {  	v0 =	vld [tilespmem:s15+$0xFFFFFFF0];
	[tilespmem:s13+$0xFFFFFFE0] =	vst v1  }
0x1d3: {  	v1 =	vld [tilespmem:s15+$0x0];
	[tilespmem:s13+$0xFFFFFFF0] =	vst v2  }
0x1d4: {  	v2 =	vld [tilespmem:s15+$0x10];
	[tilespmem:s13+$0xFFFFFF90] =	vst v4  }
0x1d5: {  	v4 =	vld [tilespmem:s15+$0x20]  }
0x1d6: {  	v7 =	vld [tilespmem:s15+$0xFFFFFFC0]  }
0x1d7: {  	v6 =	vld.idx.msk [tilespmem:v6+s5+$0x0], $0xffff  }
0x1d8: {  	v8 =	vld.idx.msk [tilespmem:v5+s5+$0x0], $0xffff  }
0x1d9: {  	v5 =	vld.idx.msk [tilespmem:v3+s5+$0x0], $0xffff  }
.Ltmp19:
0x1da: {  	v3 =	vld.idx.msk [tilespmem:v0+s5+$0x0], $0xffff;
	(pc) =	sbr.rel @p1 .LBB2_33-.Ltmp19, $4  }
0x1db: {  	v0 =	vld.idx.msk [tilespmem:v1+s5+$0x0], $0xffff  }
0x1dc: {  	s13 =	sadd.s32 $0x80, s13;
	v1 =	vld.idx.msk [tilespmem:v2+s5+$0x0], $0xffff  }
0x1dd: {  	v2 =	vld.idx.msk [tilespmem:v4+s5+$0x0], $0xffff;
	[tilespmem:s13+$0x0] =	vst v6  }
0x1de: {  	s15 =	sadd.s32 $0x100, s15;
	v4 =	vld.idx.msk [tilespmem:v7+s5+$0x0], $0xffff;
	[tilespmem:s13+$0xFFFFFFA0] =	vst v8  }
0x1df: {  	[tilespmem:s13+$0xFFFFFFB0] =	vst v5  }
0x1e0: {  	[tilespmem:s13+$0xFFFFFFC0] =	vst v3  }
0x1e1: {  	[tilespmem:s13+$0xFFFFFFD0] =	vst v0  }
0x1e2: {  	[tilespmem:s13+$0xFFFFFFE0] =	vst v1  }
0x1e3: {  	[tilespmem:s13+$0xFFFFFFF0] =	vst v2  }
0x1e4: {  	[tilespmem:s13+$0xFFFFFF90] =	vst v4  }
0x1e5: {  	s14 =	simm.s32 $0x1C700;
	s13 =	rddreg [dreg:$0xd]  }
0x1e6: {  	[hbm4b:s13+s2] =	stream.strided.scatter [tilespmem:s14], [sflag:$0x4], $0x1000, s12, s2, $0x38;
	[tilespmem:$0x1E700] =	vst v63  }
0x1e7: {  	_ =	swait.ge [sflag:s22], $0x1000  }
0x1e8: {  	s16 =	sadd.s32 $0x0, s24;
	s15 =	simm.s32 $0x18800;
	[sflag:s22] =	ssyncset.done $0x0  }
0x1e9: {  	s13 =	simm.s32 $0x18700;
	s14 =	simm.s32 $0x80;
	[sflag:s22] =	ssyncadd.s32 $0xFFFFF000  }
.LBB2_35:
0x1ea: {  	[tilespmem:s13], [sflag:$0x4] =	stream.linear.gather [hbm4b:s16+s5], $0x80, $0x38;
	[tilespmem:$0x1E700] =	vst v63  }
0x1eb: {  	s16 =	smov.u32 s14;
	s13 =	smov.u32 s15;
	p1 =	sne.s32 s14, $0xF80  }
.Ltmp20:
0x1ec: {  	s14 =	sadd.s32 $0x80, s14;
	(pc) =	sbr.rel @p1 .LBB2_35-.Ltmp20, $2  }
0x1ed: {  	_ =	sdelay $0x2  }
0x1ee: {  	s15 =	sadd.s32 $0x100, s15;
	s16 =	sadd.s32 s16, s24  }
0x1ef: {  	[tilespmem:s13], [sflag:$0x4] =	stream.linear.gather [hbm4b:s16+s5], $0x80, $0x38;
	[tilespmem:$0x1E700] =	vst v63  }
0x1f0: {  	_ =	swait.ge [sflag:s22], $0x1000  }
0x1f1: {  	[sflag:s22] =	ssyncset.done $0x0  }
0x1f2: {  	s25 =	simm.s32 $0x18740;
	[sflag:s22] =	ssyncadd.s32 $0xFFFFF000  }
0x1f3: {  	v0 =	vld [tilespmem:s25+$0x30]  }
0x1f4: {  	v1 =	vld [tilespmem:s25+$0xFFFFFFD0]  }
0x1f5: {  	v2 =	vld [tilespmem:s25+$0xFFFFFFE0]  }
0x1f6: {  	v3 =	vld [tilespmem:s25+$0xFFFFFFF0]  }
0x1f7: {  	v4 =	vld [tilespmem:s25+$0x0]  }
0x1f8: {  	v6 =	vld [tilespmem:s25+$0x10]  }
0x1f9: {  	v7 =	vld [tilespmem:s25+$0x20]  }
0x1fa: {  	v8 =	vld [tilespmem:s25+$0xFFFFFFC0]  }
0x1fb: {  	v9 =	vld.idx.msk [tilespmem:v0+s5+$0x0], $0xffff  }
0x1fc: {  	v10 =	vld.idx.msk [tilespmem:v1+s5+$0x0], $0xffff  }
0x1fd: {  	v5 =	vld.idx.msk [tilespmem:v2+s5+$0x0], $0xffff  }
0x1fe: {  	v3 =	vld.idx.msk [tilespmem:v3+s5+$0x0], $0xffff  }
0x1ff: {  	v0 =	vld.idx.msk [tilespmem:v4+s5+$0x0], $0xffff  }
0x200: {  	s13 =	simm.s32 $0x1D770;
	v1 =	vld.idx.msk [tilespmem:v6+s5+$0x0], $0xffff  }
0x201: {  	v2 =	vld.idx.msk [tilespmem:v7+s5+$0x0], $0xffff;
	[tilespmem:s13+$0x0] =	vst v9  }
0x202: {  	s14 =	simm.s32 $0x0;
	s15 =	simm.s32 $0x18840;
	v4 =	vld.idx.msk [tilespmem:v8+s5+$0x0], $0xffff;
	[tilespmem:s13+$0xFFFFFFA0] =	vst v10  }
.LBB2_37:
0x203: {  	v6 =	vld [tilespmem:s15+$0x30];
	s14 =	sadd.s32 $0x8, s14;
	[tilespmem:s13+$0xFFFFFFB0] =	vst v5  }
0x204: {  	v5 =	vld [tilespmem:s15+$0xFFFFFFD0];
	p1 =	slt.u32 s14, $0xF8;
	[tilespmem:s13+$0xFFFFFFC0] =	vst v3  }
0x205: {  	v3 =	vld [tilespmem:s15+$0xFFFFFFE0];
	[tilespmem:s13+$0xFFFFFFD0] =	vst v0  }
0x206: {  	v0 =	vld [tilespmem:s15+$0xFFFFFFF0];
	[tilespmem:s13+$0xFFFFFFE0] =	vst v1  }
0x207: {  	v1 =	vld [tilespmem:s15+$0x0];
	[tilespmem:s13+$0xFFFFFFF0] =	vst v2  }
0x208: {  	v2 =	vld [tilespmem:s15+$0x10];
	[tilespmem:s13+$0xFFFFFF90] =	vst v4  }
0x209: {  	v4 =	vld [tilespmem:s15+$0x20]  }
0x20a: {  	v7 =	vld [tilespmem:s15+$0xFFFFFFC0]  }
0x20b: {  	v6 =	vld.idx.msk [tilespmem:v6+s5+$0x0], $0xffff  }
0x20c: {  	v8 =	vld.idx.msk [tilespmem:v5+s5+$0x0], $0xffff  }
0x20d: {  	v5 =	vld.idx.msk [tilespmem:v3+s5+$0x0], $0xffff  }
.Ltmp21:
0x20e: {  	v3 =	vld.idx.msk [tilespmem:v0+s5+$0x0], $0xffff;
	(pc) =	sbr.rel @p1 .LBB2_37-.Ltmp21, $4  }
0x20f: {  	v0 =	vld.idx.msk [tilespmem:v1+s5+$0x0], $0xffff  }
0x210: {  	s13 =	sadd.s32 $0x80, s13;
	v1 =	vld.idx.msk [tilespmem:v2+s5+$0x0], $0xffff  }
0x211: {  	v2 =	vld.idx.msk [tilespmem:v4+s5+$0x0], $0xffff;
	[tilespmem:s13+$0x0] =	vst v6  }
0x212: {  	s15 =	sadd.s32 $0x100, s15;
	v4 =	vld.idx.msk [tilespmem:v7+s5+$0x0], $0xffff;
	[tilespmem:s13+$0xFFFFFFA0] =	vst v8  }
0x213: {  	[tilespmem:s13+$0xFFFFFFB0] =	vst v5  }
0x214: {  	[tilespmem:s13+$0xFFFFFFC0] =	vst v3  }
0x215: {  	[tilespmem:s13+$0xFFFFFFD0] =	vst v0  }
0x216: {  	[tilespmem:s13+$0xFFFFFFE0] =	vst v1  }
0x217: {  	[tilespmem:s13+$0xFFFFFFF0] =	vst v2  }
0x218: {  	[tilespmem:s13+$0xFFFFFF90] =	vst v4  }
.Ltmp22:
0x219: {  	s13 =	rddreg [dreg:$0xe];
	(pc) =	sbr.rel .LBB2_39-.Ltmp22, $4  }
0x21a: {  	[hbm4b:s13+s2] =	stream.strided.scatter [tilespmem:s3], [sflag:$0x4], $0x1000, s12, s2, $0x38;
	[tilespmem:$0x1E700] =	vst v63  }
0x21b: {  	_ =	swait.ge [sflag:s22], $0x1000  }
0x21c: {  	[sflag:s22] =	ssyncset.done $0x0  }
0x21d: {  	s14 =	rddreg [dreg:$0x10];
	[sflag:s22] =	ssyncadd.s32 $0xFFFFF000  }
.LBB2_40:
0x21e: {  	_ =	sfence.sel $0x180000  }
0x21f: {  	[bflag:$0x0] =	sbarrier.arrive $0xFFFF  }
0x220: {  	_ =	strace $0x90000047  }
0x221: {  	s0 =	stileid.u32;
	[bflag:$0x2] =	sbarrier.arrive $0xFFFF  }
0x222: {  	p0 =	sne.s32 s0, $0x0;
	s0 =	rddreg [dreg:$0x5]  }
0x223: {  	s0 =	sadd.s32 @!p0 $0x100000, s0  }
0x224: {  	[sflag:s0] =	ssyncadd.tile.s32 @!p0 $0x1;
	_ =	shalt  }
.Lfunc_end2:
_tile_overlayer_lowered:
.L_overlay_start_2:
0x225: {  	(tag) =	ssettag $0x2  }
0x226: {  	s0 =	rddreg [dreg:$0x0];
	s2 =	stileid.u32  }
0x227: {  	s1 =	rddreg [dreg:$0x1];
	p0 =	sne.s32 s2, $0x0  }
0x228: {  	s3 =	rddreg [dreg:$0x2];
	[bflag:$0x3] =	sbarrier.arrive $0xFFFF;
	s2 =	simm.s32 @!p0 $0x1C04  }
0x229: {  	[timem:s3], [sflag:s2] =	dma.local @!p0 [hbm:s0], s1  }
0x22a: {  	s0 =	simm.s32 @!p0 $0x4  }
0x22b: {  	_ =	swait.ge @!p0 [sflag:s0], s1  }
0x22c: {  	s1 =	ssub.s32 @!p0 $0x0, s1;
	[sflag:s0] =	ssyncset.done @!p0 $0x0  }
0x22d: {  	[sflag:s0] =	ssyncadd.s32 @!p0 s1  }
0x22e: {  	[bflag:$0x3] =	sbarrier.arrive $0xFFFF  }
0x22f: {  	_ =	shalt  }

</sc_bundles>
